<compile_context>
chip_gen: v7x
topology: tpu7x:2x2x1
jax: 0.10.2.dev20260603
libtpu: 0.0.44.dev20260713+nightly
codegen_flags: <defaults>
</compile_context>

<pallas_src>
import jax
import jax.numpy as jnp
from jax import lax
from jax.experimental import pallas as pl
from jax.experimental.pallas import tpu as pltpu
from jax.experimental.pallas import tpu_sc as plsc

N = 32768
D = 32
K = 8192
NB = 512
KC = 1024
GRID = N // NB

_SC_NW = 32
_BPW = N // _SC_NW
_ICH = 128
_NCH = _BPW // _ICH


def _argmin_body(x_ref, et_ref, ind_ref, loss_ref):
    x = x_ref[...]
    xn = jnp.sum(x * x, axis=1)
    halves = []
    for h in range(2):
        best_v = jnp.full((NB,), -jnp.inf, jnp.float32)
        best_i = jnp.zeros((NB,), jnp.int32)
        for cc in range(K // KC // 2):
            c = h * (K // KC // 2) + cc
            e = et_ref[:, c * KC:(c + 1) * KC]
            en = jnp.sum(e * e, axis=0)
            conv = jnp.dot(x, e, preferred_element_type=jnp.float32)
            s = -((xn[:, None] - 2.0 * conv) + en[None, :])
            cm = jnp.max(s, axis=1)
            iota = lax.broadcasted_iota(jnp.int32, (NB, KC), 1)
            ci = jnp.min(jnp.where(s >= cm[:, None], iota, KC), axis=1) + c * KC
            upd = cm > best_v
            best_v = jnp.where(upd, cm, best_v)
            best_i = jnp.where(upd, ci, best_i)
        halves.append((best_v, best_i))
    (m0, i0), (m1, i1) = halves
    acc0 = m0.astype(jnp.bfloat16).astype(jnp.float32)
    upd = m1 > acc0
    best_i = jnp.where(upd, i1, i0)
    best_v = jnp.where(upd, m1, m0)
    ind_ref[...] = best_i.reshape(1, 1, NB)
    loss_ref[...] = jnp.sum(-best_v).reshape(1, 1, 1)


def _tc_argmin(x2d, et):
    return pl.pallas_call(
        _argmin_body,
        grid=(GRID,),
        in_specs=[
            pl.BlockSpec((NB, D), lambda i: (i, 0)),
            pl.BlockSpec((D, K), lambda i: (0, 0)),
        ],
        out_specs=[
            pl.BlockSpec((1, 1, NB), lambda i: (i, 0, 0)),
            pl.BlockSpec((1, 1, 1), lambda i: (i, 0, 0)),
        ],
        out_shape=[
            jax.ShapeDtypeStruct((GRID, 1, NB), jnp.int32),
            jax.ShapeDtypeStruct((GRID, 1, 1), jnp.float32),
        ],
    )(x2d, et)


def _gather_body(table_hbm, idx_hbm, out_hbm, idx_v, rows_v, sem):
    wid = lax.axis_index("s") * 2 + lax.axis_index("c")
    pltpu.sync_copy(idx_hbm.at[wid], idx_v)
    for j in range(_NCH):
        pltpu.async_copy(
            table_hbm.at[idx_v.at[j]],
            rows_v.at[pl.ds(j * _ICH, _ICH)],
            sem,
        ).wait()
    pltpu.sync_copy(rows_v, out_hbm.at[wid])


def _sc_gather(embed, idx3):
    mesh = plsc.VectorSubcoreMesh(core_axis_name="c", subcore_axis_name="s")
    f = pl.kernel(
        _gather_body,
        mesh=mesh,
        compiler_params=pltpu.CompilerParams(use_tc_tiling_on_sc=False),
        out_type=jax.ShapeDtypeStruct((_SC_NW, _BPW, D), jnp.float32),
        scratch_types=[
            pltpu.VMEM((_NCH, _ICH), jnp.int32),
            pltpu.VMEM((_BPW, D), jnp.float32),
            pltpu.SemaphoreType.DMA,
        ],
    )
    return f(embed, idx3)


def kernel(x, embed):
    shape = x.shape
    x2d = x.reshape(N, D)
    et = embed.T
    ind3, lossp = _tc_argmin(x2d, et)
    embed_ind = ind3.reshape(shape[:-1])
    commit_loss = jnp.sum(lossp) / (N * D)
    quantize = _sc_gather(embed, ind3.reshape(_SC_NW, _NCH, _ICH))
    return quantize.reshape(shape), embed_ind, commit_loss

# --- scband reference (transcript-rebuilt; emitter-appended) ---
"""Pipeline reference for scband-vector-quantize-56289841382018 (READ-ONLY COPY).

The authoritative reference and input builder live on the scoring server;
editing this copy changes nothing except your own understanding.
"""

import jax, jax.numpy as jnp
import numpy as np


def setup_inputs(seed: int = 0) -> dict:
    key = jax.random.key(seed)
    k1, k2 = jax.random.split(key)
    x = jax.random.normal(k1, (32, 1024, 32), dtype=jnp.float32)
    # EuclideanCodebook buffer 'embed' ~ randn(codebook_size, dim)
    embed = jax.random.normal(k2, (8192, 32), dtype=jnp.float32)
    return {"x": x, "embed": embed}


def reference(x, embed):
    # VectorQuantize.forward in eval mode, no projection (codebook_dim == dim)
    # project_in = Identity
    shape = x.shape
    flatten = x.reshape(-1, shape[-1])  # (N, d)
    et = embed.T  # (d, K)
    # dist = -(||x||^2 - 2 x E^T + ||e||^2)
    dist = -(jnp.sum(flatten ** 2, axis=1, keepdims=True)
             - 2.0 * (flatten @ et)
             + jnp.sum(et ** 2, axis=0, keepdims=True))  # (N, K)
    embed_ind_flat = jnp.argmax(dist, axis=-1)  # (N,)
    embed_ind = embed_ind_flat.reshape(shape[:-1])  # (B, HW)
    # quantize = F.embedding(embed_ind, embed)
    quantize = jnp.take(embed, embed_ind, axis=0)  # (B, HW, d)
    # commit_loss = mse(quantize.detach(), x)
    commit_loss = jnp.mean((jax.lax.stop_gradient(quantize) - x) ** 2)
    # project_out = Identity
    return quantize, embed_ind, commit_loss

if __name__ == "__main__":
    import jax
    _d = setup_inputs()
    print(jax.jit(kernel)(*tuple(_d.values())))

</pallas_src>

<mosaic_0001>
#map = affine_map<(d0, d1) -> (0, 0)>
#map1 = affine_map<(d0, d1) -> (0, 0, 0)>
module attributes {stable_mosaic.version = 14 : i64} {
  func.func @_gather_body(%arg0: i32, %arg1: i32, %arg2: memref<8192x32xf32, #tpu.memory_space<hbm>>, %arg3: memref<32x8x128xi32, #tpu.memory_space<hbm>>, %arg4: memref<32x1024x32xf32, #tpu.memory_space<hbm>>, %arg5: memref<8x128xi32, #tpu.memory_space<vmem>>, %arg6: memref<1024x32xf32, #tpu.memory_space<vmem>>, %arg7: memref<!tpu.dma_semaphore, #tpu.memory_space<semaphore_mem>>) attributes {dimension_semantics = [#tpu.dimension_semantics<core_parallel>, #tpu.dimension_semantics<subcore_parallel>], iteration_bounds = array<i64: 2, 16>, scalar_prefetch = 0 : i64, scratch_operands = 3 : i64, tpu.core_type = #tpu.core_type<sc_vector_subcore>, window_params = [{transform_indices = #map}, {transform_indices = #map1}, {transform_indices = #map1}]} {
    %mul3A = arith.constant 2 : i32
    %mul3A_0 = arith.muli %arg1, %mul3A : i32
    %add3A = arith.addi %mul3A_0, %arg0 : i32
    "tpu.region"() ({
      %run_scoped3A = tpu.sem_alloc : memref<!tpu.dma_semaphore, #tpu.memory_space<semaphore_mem>>
      %dma_start3A_159 = arith.constant 0 : i32
      %dma_start3A_160 = arith.constant 0 : i32
      %dma_start3A_161 = tpu.memref_slice %arg3[%add3A, %dma_start3A_159, %dma_start3A_160] : memref<32x8x128xi32, #tpu.memory_space<hbm>> -> memref<1x8x128xi32, #tpu.memory_space<hbm>>
      %dma_start3A_162 = tpu.memref_squeeze %dma_start3A_161 : memref<1x8x128xi32, #tpu.memory_space<hbm>> -> memref<8x128xi32, #tpu.memory_space<hbm>>
      %dma_start3A_163 = arith.constant 0 : i32
      %dma_start3A_164 = arith.constant 0 : i32
      %dma_start3A_165 = tpu.memref_slice %arg3[%add3A, %dma_start3A_163, %dma_start3A_164] : memref<32x8x128xi32, #tpu.memory_space<hbm>> -> memref<1x8x128xi32, #tpu.memory_space<hbm>>
      %dma_start3A_166 = tpu.memref_squeeze %dma_start3A_165 : memref<1x8x128xi32, #tpu.memory_space<hbm>> -> memref<8x128xi32, #tpu.memory_space<hbm>>
      tpu.enqueue_dma source(%dma_start3A_166 : memref<8x128xi32, #tpu.memory_space<hbm>>) target(%arg5 : memref<8x128xi32, #tpu.memory_space<vmem>>) target_semaphore(%run_scoped3A : memref<!tpu.dma_semaphore, #tpu.memory_space<semaphore_mem>>)
      %dma_wait3A_167 = arith.constant 0 : i32
      %dma_wait3A_168 = arith.constant 0 : i32
      %dma_wait3A_169 = tpu.memref_slice %arg3[%add3A, %dma_wait3A_167, %dma_wait3A_168] : memref<32x8x128xi32, #tpu.memory_space<hbm>> -> memref<1x8x128xi32, #tpu.memory_space<hbm>>
      %dma_wait3A_170 = tpu.memref_squeeze %dma_wait3A_169 : memref<1x8x128xi32, #tpu.memory_space<hbm>> -> memref<8x128xi32, #tpu.memory_space<hbm>>
      %dma_wait3A_171 = arith.constant 0 : i32
      %dma_wait3A_172 = arith.constant 0 : i32
      %dma_wait3A_173 = tpu.memref_slice %arg3[%add3A, %dma_wait3A_171, %dma_wait3A_172] : memref<32x8x128xi32, #tpu.memory_space<hbm>> -> memref<1x8x128xi32, #tpu.memory_space<hbm>>
      %dma_wait3A_174 = tpu.memref_squeeze %dma_wait3A_173 : memref<1x8x128xi32, #tpu.memory_space<hbm>> -> memref<8x128xi32, #tpu.memory_space<hbm>>
      tpu.wait_dma2 semaphore(%run_scoped3A : memref<!tpu.dma_semaphore, #tpu.memory_space<semaphore_mem>>) src(%dma_wait3A_174 : memref<8x128xi32, #tpu.memory_space<hbm>>) dst(%arg5 : memref<8x128xi32, #tpu.memory_space<vmem>>)
      tpu.yield
    }) : () -> ()
    %dma_start3A = arith.constant 0 : i32
    %dma_start3A_1 = arith.constant 0 : i32
    %dma_start3A_2 = arith.constant 0 : i32
    %dma_start3A_3 = tpu.memref_slice %arg6[%dma_start3A_1, %dma_start3A_2] : memref<1024x32xf32, #tpu.memory_space<vmem>> -> memref<128x32xf32, #tpu.memory_space<vmem>>
    %dma_start3A_4 = arith.constant 0 : i32
    %dma_start3A_5 = tpu.memref_slice %arg5[%dma_start3A, %dma_start3A_4] : memref<8x128xi32, #tpu.memory_space<vmem>> -> memref<1x128xi32, #tpu.memory_space<vmem>>
    %dma_start3A_6 = tpu.memref_squeeze %dma_start3A_5 : memref<1x128xi32, #tpu.memory_space<vmem>> -> memref<128xi32, #tpu.memory_space<vmem>>
    %dma_start3A_7 = arith.constant 0 : i32
    %dma_start3A_8 = arith.constant 0 : i32
    %dma_start3A_9 = tpu.memref_slice %arg2[%dma_start3A_7, %dma_start3A_8] : memref<8192x32xf32, #tpu.memory_space<hbm>> -> memref<8192x32xf32, #tpu.memory_space<hbm>>
    tpu.enqueue_indirect_dma source(%dma_start3A_9 : memref<8192x32xf32, #tpu.memory_space<hbm>>) target(%dma_start3A_3 : memref<128x32xf32, #tpu.memory_space<vmem>>) offsets(%dma_start3A_6 : memref<128xi32, #tpu.memory_space<vmem>>) semaphore(%arg7 : memref<!tpu.dma_semaphore, #tpu.memory_space<semaphore_mem>>)
    %dma_wait3A = arith.constant 0 : i32
    %dma_wait3A_10 = arith.constant 0 : i32
    %dma_wait3A_11 = arith.constant 0 : i32
    %dma_wait3A_12 = tpu.memref_slice %arg6[%dma_wait3A_10, %dma_wait3A_11] : memref<1024x32xf32, #tpu.memory_space<vmem>> -> memref<128x32xf32, #tpu.memory_space<vmem>>
    %dma_wait3A_13 = arith.constant 0 : i32
    %dma_wait3A_14 = tpu.memref_slice %arg5[%dma_wait3A, %dma_wait3A_13] : memref<8x128xi32, #tpu.memory_space<vmem>> -> memref<1x128xi32, #tpu.memory_space<vmem>>
    %dma_wait3A_15 = tpu.memref_squeeze %dma_wait3A_14 : memref<1x128xi32, #tpu.memory_space<vmem>> -> memref<128xi32, #tpu.memory_space<vmem>>
    %dma_wait3A_16 = arith.constant 0 : i32
    %dma_wait3A_17 = arith.constant 0 : i32
    %dma_wait3A_18 = tpu.memref_slice %arg2[%dma_wait3A_16, %dma_wait3A_17] : memref<8192x32xf32, #tpu.memory_space<hbm>> -> memref<8192x32xf32, #tpu.memory_space<hbm>>
    tpu.wait_indirect_dma semaphore(%arg7 : memref<!tpu.dma_semaphore, #tpu.memory_space<semaphore_mem>>) src(%dma_wait3A_18 : memref<8192x32xf32, #tpu.memory_space<hbm>>) dst(%dma_wait3A_12 : memref<128x32xf32, #tpu.memory_space<vmem>>)
    %dma_start3A_19 = arith.constant 1 : i32
    %dma_start3A_20 = arith.constant 128 : i32
    %dma_start3A_21 = arith.constant 0 : i32
    %dma_start3A_22 = tpu.memref_slice %arg6[%dma_start3A_20, %dma_start3A_21] : memref<1024x32xf32, #tpu.memory_space<vmem>> -> memref<128x32xf32, #tpu.memory_space<vmem>>
    %dma_start3A_23 = arith.constant 0 : i32
    %dma_start3A_24 = tpu.memref_slice %arg5[%dma_start3A_19, %dma_start3A_23] : memref<8x128xi32, #tpu.memory_space<vmem>> -> memref<1x128xi32, #tpu.memory_space<vmem>>
    %dma_start3A_25 = tpu.memref_squeeze %dma_start3A_24 : memref<1x128xi32, #tpu.memory_space<vmem>> -> memref<128xi32, #tpu.memory_space<vmem>>
    %dma_start3A_26 = arith.constant 0 : i32
    %dma_start3A_27 = arith.constant 0 : i32
    %dma_start3A_28 = tpu.memref_slice %arg2[%dma_start3A_26, %dma_start3A_27] : memref<8192x32xf32, #tpu.memory_space<hbm>> -> memref<8192x32xf32, #tpu.memory_space<hbm>>
    tpu.enqueue_indirect_dma source(%dma_start3A_28 : memref<8192x32xf32, #tpu.memory_space<hbm>>) target(%dma_start3A_22 : memref<128x32xf32, #tpu.memory_space<vmem>>) offsets(%dma_start3A_25 : memref<128xi32, #tpu.memory_space<vmem>>) semaphore(%arg7 : memref<!tpu.dma_semaphore, #tpu.memory_space<semaphore_mem>>)
    %dma_wait3A_29 = arith.constant 1 : i32
    %dma_wait3A_30 = arith.constant 128 : i32
    %dma_wait3A_31 = arith.constant 0 : i32
    %dma_wait3A_32 = tpu.memref_slice %arg6[%dma_wait3A_30, %dma_wait3A_31] : memref<1024x32xf32, #tpu.memory_space<vmem>> -> memref<128x32xf32, #tpu.memory_space<vmem>>
    %dma_wait3A_33 = arith.constant 0 : i32
    %dma_wait3A_34 = tpu.memref_slice %arg5[%dma_wait3A_29, %dma_wait3A_33] : memref<8x128xi32, #tpu.memory_space<vmem>> -> memref<1x128xi32, #tpu.memory_space<vmem>>
    %dma_wait3A_35 = tpu.memref_squeeze %dma_wait3A_34 : memref<1x128xi32, #tpu.memory_space<vmem>> -> memref<128xi32, #tpu.memory_space<vmem>>
    %dma_wait3A_36 = arith.constant 0 : i32
    %dma_wait3A_37 = arith.constant 0 : i32
    %dma_wait3A_38 = tpu.memref_slice %arg2[%dma_wait3A_36, %dma_wait3A_37] : memref<8192x32xf32, #tpu.memory_space<hbm>> -> memref<8192x32xf32, #tpu.memory_space<hbm>>
    tpu.wait_indirect_dma semaphore(%arg7 : memref<!tpu.dma_semaphore, #tpu.memory_space<semaphore_mem>>) src(%dma_wait3A_38 : memref<8192x32xf32, #tpu.memory_space<hbm>>) dst(%dma_wait3A_32 : memref<128x32xf32, #tpu.memory_space<vmem>>)
    %dma_start3A_39 = arith.constant 2 : i32
    %dma_start3A_40 = arith.constant 256 : i32
    %dma_start3A_41 = arith.constant 0 : i32
    %dma_start3A_42 = tpu.memref_slice %arg6[%dma_start3A_40, %dma_start3A_41] : memref<1024x32xf32, #tpu.memory_space<vmem>> -> memref<128x32xf32, #tpu.memory_space<vmem>>
    %dma_start3A_43 = arith.constant 0 : i32
    %dma_start3A_44 = tpu.memref_slice %arg5[%dma_start3A_39, %dma_start3A_43] : memref<8x128xi32, #tpu.memory_space<vmem>> -> memref<1x128xi32, #tpu.memory_space<vmem>>
    %dma_start3A_45 = tpu.memref_squeeze %dma_start3A_44 : memref<1x128xi32, #tpu.memory_space<vmem>> -> memref<128xi32, #tpu.memory_space<vmem>>
    %dma_start3A_46 = arith.constant 0 : i32
    %dma_start3A_47 = arith.constant 0 : i32
    %dma_start3A_48 = tpu.memref_slice %arg2[%dma_start3A_46, %dma_start3A_47] : memref<8192x32xf32, #tpu.memory_space<hbm>> -> memref<8192x32xf32, #tpu.memory_space<hbm>>
    tpu.enqueue_indirect_dma source(%dma_start3A_48 : memref<8192x32xf32, #tpu.memory_space<hbm>>) target(%dma_start3A_42 : memref<128x32xf32, #tpu.memory_space<vmem>>) offsets(%dma_start3A_45 : memref<128xi32, #tpu.memory_space<vmem>>) semaphore(%arg7 : memref<!tpu.dma_semaphore, #tpu.memory_space<semaphore_mem>>)
    %dma_wait3A_49 = arith.constant 2 : i32
    %dma_wait3A_50 = arith.constant 256 : i32
    %dma_wait3A_51 = arith.constant 0 : i32
    %dma_wait3A_52 = tpu.memref_slice %arg6[%dma_wait3A_50, %dma_wait3A_51] : memref<1024x32xf32, #tpu.memory_space<vmem>> -> memref<128x32xf32, #tpu.memory_space<vmem>>
    %dma_wait3A_53 = arith.constant 0 : i32
    %dma_wait3A_54 = tpu.memref_slice %arg5[%dma_wait3A_49, %dma_wait3A_53] : memref<8x128xi32, #tpu.memory_space<vmem>> -> memref<1x128xi32, #tpu.memory_space<vmem>>
    %dma_wait3A_55 = tpu.memref_squeeze %dma_wait3A_54 : memref<1x128xi32, #tpu.memory_space<vmem>> -> memref<128xi32, #tpu.memory_space<vmem>>
    %dma_wait3A_56 = arith.constant 0 : i32
    %dma_wait3A_57 = arith.constant 0 : i32
    %dma_wait3A_58 = tpu.memref_slice %arg2[%dma_wait3A_56, %dma_wait3A_57] : memref<8192x32xf32, #tpu.memory_space<hbm>> -> memref<8192x32xf32, #tpu.memory_space<hbm>>
    tpu.wait_indirect_dma semaphore(%arg7 : memref<!tpu.dma_semaphore, #tpu.memory_space<semaphore_mem>>) src(%dma_wait3A_58 : memref<8192x32xf32, #tpu.memory_space<hbm>>) dst(%dma_wait3A_52 : memref<128x32xf32, #tpu.memory_space<vmem>>)
    %dma_start3A_59 = arith.constant 3 : i32
    %dma_start3A_60 = arith.constant 384 : i32
    %dma_start3A_61 = arith.constant 0 : i32
    %dma_start3A_62 = tpu.memref_slice %arg6[%dma_start3A_60, %dma_start3A_61] : memref<1024x32xf32, #tpu.memory_space<vmem>> -> memref<128x32xf32, #tpu.memory_space<vmem>>
    %dma_start3A_63 = arith.constant 0 : i32
    %dma_start3A_64 = tpu.memref_slice %arg5[%dma_start3A_59, %dma_start3A_63] : memref<8x128xi32, #tpu.memory_space<vmem>> -> memref<1x128xi32, #tpu.memory_space<vmem>>
    %dma_start3A_65 = tpu.memref_squeeze %dma_start3A_64 : memref<1x128xi32, #tpu.memory_space<vmem>> -> memref<128xi32, #tpu.memory_space<vmem>>
    %dma_start3A_66 = arith.constant 0 : i32
    %dma_start3A_67 = arith.constant 0 : i32
    %dma_start3A_68 = tpu.memref_slice %arg2[%dma_start3A_66, %dma_start3A_67] : memref<8192x32xf32, #tpu.memory_space<hbm>> -> memref<8192x32xf32, #tpu.memory_space<hbm>>
    tpu.enqueue_indirect_dma source(%dma_start3A_68 : memref<8192x32xf32, #tpu.memory_space<hbm>>) target(%dma_start3A_62 : memref<128x32xf32, #tpu.memory_space<vmem>>) offsets(%dma_start3A_65 : memref<128xi32, #tpu.memory_space<vmem>>) semaphore(%arg7 : memref<!tpu.dma_semaphore, #tpu.memory_space<semaphore_mem>>)
    %dma_wait3A_69 = arith.constant 3 : i32
    %dma_wait3A_70 = arith.constant 384 : i32
    %dma_wait3A_71 = arith.constant 0 : i32
    %dma_wait3A_72 = tpu.memref_slice %arg6[%dma_wait3A_70, %dma_wait3A_71] : memref<1024x32xf32, #tpu.memory_space<vmem>> -> memref<128x32xf32, #tpu.memory_space<vmem>>
    %dma_wait3A_73 = arith.constant 0 : i32
    %dma_wait3A_74 = tpu.memref_slice %arg5[%dma_wait3A_69, %dma_wait3A_73] : memref<8x128xi32, #tpu.memory_space<vmem>> -> memref<1x128xi32, #tpu.memory_space<vmem>>
    %dma_wait3A_75 = tpu.memref_squeeze %dma_wait3A_74 : memref<1x128xi32, #tpu.memory_space<vmem>> -> memref<128xi32, #tpu.memory_space<vmem>>
    %dma_wait3A_76 = arith.constant 0 : i32
    %dma_wait3A_77 = arith.constant 0 : i32
    %dma_wait3A_78 = tpu.memref_slice %arg2[%dma_wait3A_76, %dma_wait3A_77] : memref<8192x32xf32, #tpu.memory_space<hbm>> -> memref<8192x32xf32, #tpu.memory_space<hbm>>
    tpu.wait_indirect_dma semaphore(%arg7 : memref<!tpu.dma_semaphore, #tpu.memory_space<semaphore_mem>>) src(%dma_wait3A_78 : memref<8192x32xf32, #tpu.memory_space<hbm>>) dst(%dma_wait3A_72 : memref<128x32xf32, #tpu.memory_space<vmem>>)
    %dma_start3A_79 = arith.constant 4 : i32
    %dma_start3A_80 = arith.constant 512 : i32
    %dma_start3A_81 = arith.constant 0 : i32
    %dma_start3A_82 = tpu.memref_slice %arg6[%dma_start3A_80, %dma_start3A_81] : memref<1024x32xf32, #tpu.memory_space<vmem>> -> memref<128x32xf32, #tpu.memory_space<vmem>>
    %dma_start3A_83 = arith.constant 0 : i32
    %dma_start3A_84 = tpu.memref_slice %arg5[%dma_start3A_79, %dma_start3A_83] : memref<8x128xi32, #tpu.memory_space<vmem>> -> memref<1x128xi32, #tpu.memory_space<vmem>>
    %dma_start3A_85 = tpu.memref_squeeze %dma_start3A_84 : memref<1x128xi32, #tpu.memory_space<vmem>> -> memref<128xi32, #tpu.memory_space<vmem>>
    %dma_start3A_86 = arith.constant 0 : i32
    %dma_start3A_87 = arith.constant 0 : i32
    %dma_start3A_88 = tpu.memref_slice %arg2[%dma_start3A_86, %dma_start3A_87] : memref<8192x32xf32, #tpu.memory_space<hbm>> -> memref<8192x32xf32, #tpu.memory_space<hbm>>
    tpu.enqueue_indirect_dma source(%dma_start3A_88 : memref<8192x32xf32, #tpu.memory_space<hbm>>) target(%dma_start3A_82 : memref<128x32xf32, #tpu.memory_space<vmem>>) offsets(%dma_start3A_85 : memref<128xi32, #tpu.memory_space<vmem>>) semaphore(%arg7 : memref<!tpu.dma_semaphore, #tpu.memory_space<semaphore_mem>>)
    %dma_wait3A_89 = arith.constant 4 : i32
    %dma_wait3A_90 = arith.constant 512 : i32
    %dma_wait3A_91 = arith.constant 0 : i32
    %dma_wait3A_92 = tpu.memref_slice %arg6[%dma_wait3A_90, %dma_wait3A_91] : memref<1024x32xf32, #tpu.memory_space<vmem>> -> memref<128x32xf32, #tpu.memory_space<vmem>>
    %dma_wait3A_93 = arith.constant 0 : i32
    %dma_wait3A_94 = tpu.memref_slice %arg5[%dma_wait3A_89, %dma_wait3A_93] : memref<8x128xi32, #tpu.memory_space<vmem>> -> memref<1x128xi32, #tpu.memory_space<vmem>>
    %dma_wait3A_95 = tpu.memref_squeeze %dma_wait3A_94 : memref<1x128xi32, #tpu.memory_space<vmem>> -> memref<128xi32, #tpu.memory_space<vmem>>
    %dma_wait3A_96 = arith.constant 0 : i32
    %dma_wait3A_97 = arith.constant 0 : i32
    %dma_wait3A_98 = tpu.memref_slice %arg2[%dma_wait3A_96, %dma_wait3A_97] : memref<8192x32xf32, #tpu.memory_space<hbm>> -> memref<8192x32xf32, #tpu.memory_space<hbm>>
    tpu.wait_indirect_dma semaphore(%arg7 : memref<!tpu.dma_semaphore, #tpu.memory_space<semaphore_mem>>) src(%dma_wait3A_98 : memref<8192x32xf32, #tpu.memory_space<hbm>>) dst(%dma_wait3A_92 : memref<128x32xf32, #tpu.memory_space<vmem>>)
    %dma_start3A_99 = arith.constant 5 : i32
    %dma_start3A_100 = arith.constant 640 : i32
    %dma_start3A_101 = arith.constant 0 : i32
    %dma_start3A_102 = tpu.memref_slice %arg6[%dma_start3A_100, %dma_start3A_101] : memref<1024x32xf32, #tpu.memory_space<vmem>> -> memref<128x32xf32, #tpu.memory_space<vmem>>
    %dma_start3A_103 = arith.constant 0 : i32
    %dma_start3A_104 = tpu.memref_slice %arg5[%dma_start3A_99, %dma_start3A_103] : memref<8x128xi32, #tpu.memory_space<vmem>> -> memref<1x128xi32, #tpu.memory_space<vmem>>
    %dma_start3A_105 = tpu.memref_squeeze %dma_start3A_104 : memref<1x128xi32, #tpu.memory_space<vmem>> -> memref<128xi32, #tpu.memory_space<vmem>>
    %dma_start3A_106 = arith.constant 0 : i32
    %dma_start3A_107 = arith.constant 0 : i32
    %dma_start3A_108 = tpu.memref_slice %arg2[%dma_start3A_106, %dma_start3A_107] : memref<8192x32xf32, #tpu.memory_space<hbm>> -> memref<8192x32xf32, #tpu.memory_space<hbm>>
    tpu.enqueue_indirect_dma source(%dma_start3A_108 : memref<8192x32xf32, #tpu.memory_space<hbm>>) target(%dma_start3A_102 : memref<128x32xf32, #tpu.memory_space<vmem>>) offsets(%dma_start3A_105 : memref<128xi32, #tpu.memory_space<vmem>>) semaphore(%arg7 : memref<!tpu.dma_semaphore, #tpu.memory_space<semaphore_mem>>)
    %dma_wait3A_109 = arith.constant 5 : i32
    %dma_wait3A_110 = arith.constant 640 : i32
    %dma_wait3A_111 = arith.constant 0 : i32
    %dma_wait3A_112 = tpu.memref_slice %arg6[%dma_wait3A_110, %dma_wait3A_111] : memref<1024x32xf32, #tpu.memory_space<vmem>> -> memref<128x32xf32, #tpu.memory_space<vmem>>
    %dma_wait3A_113 = arith.constant 0 : i32
    %dma_wait3A_114 = tpu.memref_slice %arg5[%dma_wait3A_109, %dma_wait3A_113] : memref<8x128xi32, #tpu.memory_space<vmem>> -> memref<1x128xi32, #tpu.memory_space<vmem>>
    %dma_wait3A_115 = tpu.memref_squeeze %dma_wait3A_114 : memref<1x128xi32, #tpu.memory_space<vmem>> -> memref<128xi32, #tpu.memory_space<vmem>>
    %dma_wait3A_116 = arith.constant 0 : i32
    %dma_wait3A_117 = arith.constant 0 : i32
    %dma_wait3A_118 = tpu.memref_slice %arg2[%dma_wait3A_116, %dma_wait3A_117] : memref<8192x32xf32, #tpu.memory_space<hbm>> -> memref<8192x32xf32, #tpu.memory_space<hbm>>
    tpu.wait_indirect_dma semaphore(%arg7 : memref<!tpu.dma_semaphore, #tpu.memory_space<semaphore_mem>>) src(%dma_wait3A_118 : memref<8192x32xf32, #tpu.memory_space<hbm>>) dst(%dma_wait3A_112 : memref<128x32xf32, #tpu.memory_space<vmem>>)
    %dma_start3A_119 = arith.constant 6 : i32
    %dma_start3A_120 = arith.constant 768 : i32
    %dma_start3A_121 = arith.constant 0 : i32
    %dma_start3A_122 = tpu.memref_slice %arg6[%dma_start3A_120, %dma_start3A_121] : memref<1024x32xf32, #tpu.memory_space<vmem>> -> memref<128x32xf32, #tpu.memory_space<vmem>>
    %dma_start3A_123 = arith.constant 0 : i32
    %dma_start3A_124 = tpu.memref_slice %arg5[%dma_start3A_119, %dma_start3A_123] : memref<8x128xi32, #tpu.memory_space<vmem>> -> memref<1x128xi32, #tpu.memory_space<vmem>>
    %dma_start3A_125 = tpu.memref_squeeze %dma_start3A_124 : memref<1x128xi32, #tpu.memory_space<vmem>> -> memref<128xi32, #tpu.memory_space<vmem>>
    %dma_start3A_126 = arith.constant 0 : i32
    %dma_start3A_127 = arith.constant 0 : i32
    %dma_start3A_128 = tpu.memref_slice %arg2[%dma_start3A_126, %dma_start3A_127] : memref<8192x32xf32, #tpu.memory_space<hbm>> -> memref<8192x32xf32, #tpu.memory_space<hbm>>
    tpu.enqueue_indirect_dma source(%dma_start3A_128 : memref<8192x32xf32, #tpu.memory_space<hbm>>) target(%dma_start3A_122 : memref<128x32xf32, #tpu.memory_space<vmem>>) offsets(%dma_start3A_125 : memref<128xi32, #tpu.memory_space<vmem>>) semaphore(%arg7 : memref<!tpu.dma_semaphore, #tpu.memory_space<semaphore_mem>>)
    %dma_wait3A_129 = arith.constant 6 : i32
    %dma_wait3A_130 = arith.constant 768 : i32
    %dma_wait3A_131 = arith.constant 0 : i32
    %dma_wait3A_132 = tpu.memref_slice %arg6[%dma_wait3A_130, %dma_wait3A_131] : memref<1024x32xf32, #tpu.memory_space<vmem>> -> memref<128x32xf32, #tpu.memory_space<vmem>>
    %dma_wait3A_133 = arith.constant 0 : i32
    %dma_wait3A_134 = tpu.memref_slice %arg5[%dma_wait3A_129, %dma_wait3A_133] : memref<8x128xi32, #tpu.memory_space<vmem>> -> memref<1x128xi32, #tpu.memory_space<vmem>>
    %dma_wait3A_135 = tpu.memref_squeeze %dma_wait3A_134 : memref<1x128xi32, #tpu.memory_space<vmem>> -> memref<128xi32, #tpu.memory_space<vmem>>
    %dma_wait3A_136 = arith.constant 0 : i32
    %dma_wait3A_137 = arith.constant 0 : i32
    %dma_wait3A_138 = tpu.memref_slice %arg2[%dma_wait3A_136, %dma_wait3A_137] : memref<8192x32xf32, #tpu.memory_space<hbm>> -> memref<8192x32xf32, #tpu.memory_space<hbm>>
    tpu.wait_indirect_dma semaphore(%arg7 : memref<!tpu.dma_semaphore, #tpu.memory_space<semaphore_mem>>) src(%dma_wait3A_138 : memref<8192x32xf32, #tpu.memory_space<hbm>>) dst(%dma_wait3A_132 : memref<128x32xf32, #tpu.memory_space<vmem>>)
    %dma_start3A_139 = arith.constant 7 : i32
    %dma_start3A_140 = arith.constant 896 : i32
    %dma_start3A_141 = arith.constant 0 : i32
    %dma_start3A_142 = tpu.memref_slice %arg6[%dma_start3A_140, %dma_start3A_141] : memref<1024x32xf32, #tpu.memory_space<vmem>> -> memref<128x32xf32, #tpu.memory_space<vmem>>
    %dma_start3A_143 = arith.constant 0 : i32
    %dma_start3A_144 = tpu.memref_slice %arg5[%dma_start3A_139, %dma_start3A_143] : memref<8x128xi32, #tpu.memory_space<vmem>> -> memref<1x128xi32, #tpu.memory_space<vmem>>
    %dma_start3A_145 = tpu.memref_squeeze %dma_start3A_144 : memref<1x128xi32, #tpu.memory_space<vmem>> -> memref<128xi32, #tpu.memory_space<vmem>>
    %dma_start3A_146 = arith.constant 0 : i32
    %dma_start3A_147 = arith.constant 0 : i32
    %dma_start3A_148 = tpu.memref_slice %arg2[%dma_start3A_146, %dma_start3A_147] : memref<8192x32xf32, #tpu.memory_space<hbm>> -> memref<8192x32xf32, #tpu.memory_space<hbm>>
    tpu.enqueue_indirect_dma source(%dma_start3A_148 : memref<8192x32xf32, #tpu.memory_space<hbm>>) target(%dma_start3A_142 : memref<128x32xf32, #tpu.memory_space<vmem>>) offsets(%dma_start3A_145 : memref<128xi32, #tpu.memory_space<vmem>>) semaphore(%arg7 : memref<!tpu.dma_semaphore, #tpu.memory_space<semaphore_mem>>)
    %dma_wait3A_149 = arith.constant 7 : i32
    %dma_wait3A_150 = arith.constant 896 : i32
    %dma_wait3A_151 = arith.constant 0 : i32
    %dma_wait3A_152 = tpu.memref_slice %arg6[%dma_wait3A_150, %dma_wait3A_151] : memref<1024x32xf32, #tpu.memory_space<vmem>> -> memref<128x32xf32, #tpu.memory_space<vmem>>
    %dma_wait3A_153 = arith.constant 0 : i32
    %dma_wait3A_154 = tpu.memref_slice %arg5[%dma_wait3A_149, %dma_wait3A_153] : memref<8x128xi32, #tpu.memory_space<vmem>> -> memref<1x128xi32, #tpu.memory_space<vmem>>
    %dma_wait3A_155 = tpu.memref_squeeze %dma_wait3A_154 : memref<1x128xi32, #tpu.memory_space<vmem>> -> memref<128xi32, #tpu.memory_space<vmem>>
    %dma_wait3A_156 = arith.constant 0 : i32
    %dma_wait3A_157 = arith.constant 0 : i32
    %dma_wait3A_158 = tpu.memref_slice %arg2[%dma_wait3A_156, %dma_wait3A_157] : memref<8192x32xf32, #tpu.memory_space<hbm>> -> memref<8192x32xf32, #tpu.memory_space<hbm>>
    tpu.wait_indirect_dma semaphore(%arg7 : memref<!tpu.dma_semaphore, #tpu.memory_space<semaphore_mem>>) src(%dma_wait3A_158 : memref<8192x32xf32, #tpu.memory_space<hbm>>) dst(%dma_wait3A_152 : memref<128x32xf32, #tpu.memory_space<vmem>>)
    "tpu.region"() ({
      %run_scoped3A = tpu.sem_alloc : memref<!tpu.dma_semaphore, #tpu.memory_space<semaphore_mem>>
      %dma_start3A_159 = arith.constant 0 : i32
      %dma_start3A_160 = arith.constant 0 : i32
      %dma_start3A_161 = tpu.memref_slice %arg4[%add3A, %dma_start3A_159, %dma_start3A_160] : memref<32x1024x32xf32, #tpu.memory_space<hbm>> -> memref<1x1024x32xf32, #tpu.memory_space<hbm>>
      %dma_start3A_162 = tpu.memref_squeeze %dma_start3A_161 : memref<1x1024x32xf32, #tpu.memory_space<hbm>> -> memref<1024x32xf32, #tpu.memory_space<hbm>>
      %dma_start3A_163 = arith.constant 0 : i32
      %dma_start3A_164 = arith.constant 0 : i32
      %dma_start3A_165 = tpu.memref_slice %arg4[%add3A, %dma_start3A_163, %dma_start3A_164] : memref<32x1024x32xf32, #tpu.memory_space<hbm>> -> memref<1x1024x32xf32, #tpu.memory_space<hbm>>
      %dma_start3A_166 = tpu.memref_squeeze %dma_start3A_165 : memref<1x1024x32xf32, #tpu.memory_space<hbm>> -> memref<1024x32xf32, #tpu.memory_space<hbm>>
      tpu.enqueue_dma source(%arg6 : memref<1024x32xf32, #tpu.memory_space<vmem>>) target(%dma_start3A_166 : memref<1024x32xf32, #tpu.memory_space<hbm>>) target_semaphore(%run_scoped3A : memref<!tpu.dma_semaphore, #tpu.memory_space<semaphore_mem>>)
      %dma_wait3A_167 = arith.constant 0 : i32
      %dma_wait3A_168 = arith.constant 0 : i32
      %dma_wait3A_169 = tpu.memref_slice %arg4[%add3A, %dma_wait3A_167, %dma_wait3A_168] : memref<32x1024x32xf32, #tpu.memory_space<hbm>> -> memref<1x1024x32xf32, #tpu.memory_space<hbm>>
      %dma_wait3A_170 = tpu.memref_squeeze %dma_wait3A_169 : memref<1x1024x32xf32, #tpu.memory_space<hbm>> -> memref<1024x32xf32, #tpu.memory_space<hbm>>
      %dma_wait3A_171 = arith.constant 0 : i32
      %dma_wait3A_172 = arith.constant 0 : i32
      %dma_wait3A_173 = tpu.memref_slice %arg4[%add3A, %dma_wait3A_171, %dma_wait3A_172] : memref<32x1024x32xf32, #tpu.memory_space<hbm>> -> memref<1x1024x32xf32, #tpu.memory_space<hbm>>
      %dma_wait3A_174 = tpu.memref_squeeze %dma_wait3A_173 : memref<1x1024x32xf32, #tpu.memory_space<hbm>> -> memref<1024x32xf32, #tpu.memory_space<hbm>>
      tpu.wait_dma2 semaphore(%run_scoped3A : memref<!tpu.dma_semaphore, #tpu.memory_space<semaphore_mem>>) src(%arg6 : memref<1024x32xf32, #tpu.memory_space<vmem>>) dst(%dma_wait3A_174 : memref<1024x32xf32, #tpu.memory_space<hbm>>)
      tpu.yield
    }) : () -> ()
    return
  }
}

module attributes {stable_mosaic.version = 14 : i64} {
  func.func @_argmin_body(%arg0: i32, %arg1: memref<512x32xf32, #tpu.memory_space<vmem>>, %arg2: memref<32x8192xf32, #tpu.memory_space<vmem>>, %arg3: memref<1x1x512xi32, #tpu.memory_space<vmem>>, %arg4: memref<1x1x1xf32, #tpu.memory_space<vmem>>) attributes {dimension_semantics = [#tpu.dimension_semantics<arbitrary>], iteration_bounds = array<i64: 64>, scalar_prefetch = 0 : i64, scratch_operands = 0 : i64, tpu.core_type = #tpu.core_type<tc>, window_params = [{transform_indices = @transform_0, window_bounds = array<i64: 512, 32>}, {pipeline_mode = #tpu.pipeline_mode<synchronous>, transform_indices = @transform_1, window_bounds = array<i64: 32, 8192>}, {transform_indices = @transform_2, window_bounds = array<i64: 1, 1, 512>}, {transform_indices = @transform_3, window_bounds = array<i64: 1, 1, 1>}]} {
    %get3A = arith.constant 0 : index
    %get3A_0 = arith.constant 0 : index
    %get3A_1 = vector.load %arg1[%get3A, %get3A_0] : memref<512x32xf32, #tpu.memory_space<vmem>>, vector<512x32xf32>
    %mul3A = arith.mulf %get3A_1, %get3A_1 : vector<512x32xf32>
    %reduce_sum3A = arith.constant dense<0.000000e+00> : vector<512xf32>
    %reduce_sum3A_2 = vector.multi_reduction <add>, %mul3A, %reduce_sum3A [1] : vector<512x32xf32> to vector<512xf32>
    %broadcast_in_dim3A = arith.constant 0xFF800000 : f32
    %broadcast_in_dim3A_3 = vector.broadcast %broadcast_in_dim3A : f32 to vector<512xf32>
    %broadcast_in_dim3A_4 = arith.constant 0 : i32
    %broadcast_in_dim3A_5 = vector.broadcast %broadcast_in_dim3A_4 : i32 to vector<512xi32>
    %get3A_6 = arith.constant 0 : index
    %get3A_7 = arith.constant 0 : index
    %get3A_8 = vector.load %arg2[%get3A_6, %get3A_7] : memref<32x8192xf32, #tpu.memory_space<vmem>>, vector<32x1024xf32>
    %mul3A_9 = arith.mulf %get3A_8, %get3A_8 : vector<32x1024xf32>
    %reduce_sum3A_10 = arith.constant dense<0.000000e+00> : vector<1024xf32>
    %reduce_sum3A_11 = vector.multi_reduction <add>, %mul3A_9, %reduce_sum3A_10 [0] : vector<32x1024xf32> to vector<1024xf32>
    %dot_general3A = arith.constant dense<0.000000e+00> : vector<512x1024xf32>
    %dot_general3A_12 = tpu.matmul %get3A_1, %get3A_8, %dot_general3A {dimension_numbers = #tpu.dot_dimension_numbers<[1], [0], [0], [1], [0, 0, 1, 1], [], []>, transpose_lhs_hint = false} : vector<512x32xf32>, vector<32x1024xf32>, vector<512x1024xf32> -> vector<512x1024xf32>
    %broadcast_in_dim3A_13 = vector.shape_cast %reduce_sum3A_2 : vector<512xf32> to vector<512x1xf32>
    %mul3A_14 = arith.constant 2.000000e+00 : f32
    %mul3A_15 = vector.broadcast %mul3A_14 : f32 to vector<512x1024xf32>
    %mul3A_16 = arith.mulf %mul3A_15, %dot_general3A_12 : vector<512x1024xf32>
    %sub3A = vector.broadcast %broadcast_in_dim3A_13 : vector<512x1xf32> to vector<512x1024xf32>
    %sub3A_17 = arith.subf %sub3A, %mul3A_16 : vector<512x1024xf32>
    %broadcast_in_dim3A_18 = vector.shape_cast %reduce_sum3A_11 : vector<1024xf32> to vector<1x1024xf32>
    %add3A = vector.broadcast %broadcast_in_dim3A_18 : vector<1x1024xf32> to vector<512x1024xf32>
    %add3A_19 = arith.addf %sub3A_17, %add3A : vector<512x1024xf32>
    %neg3A = arith.constant 0.000000e+00 : f32
    %neg3A_20 = vector.broadcast %neg3A : f32 to vector<512x1024xf32>
    %neg3A_21 = arith.subf %neg3A_20, %add3A_19 : vector<512x1024xf32>
    %reduce_max3A = arith.constant dense<0xFF800000> : vector<512xf32>
    %reduce_max3A_22 = vector.multi_reduction <maximumf>, %neg3A_21, %reduce_max3A [1] : vector<512x1024xf32> to vector<512xf32>
    %iota3A = tpu.iota {dimensions = array<i32: 1>} : vector<512x1024xi32>
    %broadcast_in_dim3A_23 = vector.shape_cast %reduce_max3A_22 : vector<512xf32> to vector<512x1xf32>
    %ge3A = vector.broadcast %broadcast_in_dim3A_23 : vector<512x1xf32> to vector<512x1024xf32>
    %ge3A_24 = arith.cmpf oge, %neg3A_21, %ge3A : vector<512x1024xf32>
    %jit3A = arith.constant 1024 : i32
    %broadcast_in_dim3A_25 = vector.broadcast %jit3A : i32 to vector<512x1024xi32>
    %select_n3A = arith.select %ge3A_24, %iota3A, %broadcast_in_dim3A_25 : vector<512x1024xi1>, vector<512x1024xi32>
    %reduce_min3A = arith.constant dense<2147483647> : vector<512xi32>
    %reduce_min3A_26 = vector.multi_reduction <minsi>, %select_n3A, %reduce_min3A [1] : vector<512x1024xi32> to vector<512xi32>
    %add3A_27 = arith.constant 0 : i32
    %add3A_28 = vector.broadcast %add3A_27 : i32 to vector<512xi32>
    %add3A_29 = arith.addi %reduce_min3A_26, %add3A_28 : vector<512xi32>
    %gt3A = arith.cmpf ogt, %reduce_max3A_22, %broadcast_in_dim3A_3 : vector<512xf32>
    %select_n3A_30 = arith.select %gt3A, %reduce_max3A_22, %broadcast_in_dim3A_3 : vector<512xi1>, vector<512xf32>
    %select_n3A_31 = arith.select %gt3A, %add3A_29, %broadcast_in_dim3A_5 : vector<512xi1>, vector<512xi32>
    %get3A_32 = arith.constant 0 : index
    %get3A_33 = arith.constant 1024 : index
    %get3A_34 = vector.load %arg2[%get3A_32, %get3A_33] : memref<32x8192xf32, #tpu.memory_space<vmem>>, vector<32x1024xf32>
    %mul3A_35 = arith.mulf %get3A_34, %get3A_34 : vector<32x1024xf32>
    %reduce_sum3A_36 = arith.constant dense<0.000000e+00> : vector<1024xf32>
    %reduce_sum3A_37 = vector.multi_reduction <add>, %mul3A_35, %reduce_sum3A_36 [0] : vector<32x1024xf32> to vector<1024xf32>
    %dot_general3A_38 = arith.constant dense<0.000000e+00> : vector<512x1024xf32>
    %dot_general3A_39 = tpu.matmul %get3A_1, %get3A_34, %dot_general3A_38 {dimension_numbers = #tpu.dot_dimension_numbers<[1], [0], [0], [1], [0, 0, 1, 1], [], []>, transpose_lhs_hint = false} : vector<512x32xf32>, vector<32x1024xf32>, vector<512x1024xf32> -> vector<512x1024xf32>
    %broadcast_in_dim3A_40 = vector.shape_cast %reduce_sum3A_2 : vector<512xf32> to vector<512x1xf32>
    %mul3A_41 = arith.constant 2.000000e+00 : f32
    %mul3A_42 = vector.broadcast %mul3A_41 : f32 to vector<512x1024xf32>
    %mul3A_43 = arith.mulf %mul3A_42, %dot_general3A_39 : vector<512x1024xf32>
    %sub3A_44 = vector.broadcast %broadcast_in_dim3A_40 : vector<512x1xf32> to vector<512x1024xf32>
    %sub3A_45 = arith.subf %sub3A_44, %mul3A_43 : vector<512x1024xf32>
    %broadcast_in_dim3A_46 = vector.shape_cast %reduce_sum3A_37 : vector<1024xf32> to vector<1x1024xf32>
    %add3A_47 = vector.broadcast %broadcast_in_dim3A_46 : vector<1x1024xf32> to vector<512x1024xf32>
    %add3A_48 = arith.addf %sub3A_45, %add3A_47 : vector<512x1024xf32>
    %neg3A_49 = arith.constant 0.000000e+00 : f32
    %neg3A_50 = vector.broadcast %neg3A_49 : f32 to vector<512x1024xf32>
    %neg3A_51 = arith.subf %neg3A_50, %add3A_48 : vector<512x1024xf32>
    %reduce_max3A_52 = arith.constant dense<0xFF800000> : vector<512xf32>
    %reduce_max3A_53 = vector.multi_reduction <maximumf>, %neg3A_51, %reduce_max3A_52 [1] : vector<512x1024xf32> to vector<512xf32>
    %iota3A_54 = tpu.iota {dimensions = array<i32: 1>} : vector<512x1024xi32>
    %broadcast_in_dim3A_55 = vector.shape_cast %reduce_max3A_53 : vector<512xf32> to vector<512x1xf32>
    %ge3A_56 = vector.broadcast %broadcast_in_dim3A_55 : vector<512x1xf32> to vector<512x1024xf32>
    %ge3A_57 = arith.cmpf oge, %neg3A_51, %ge3A_56 : vector<512x1024xf32>
    %jit3A_58 = arith.constant 1024 : i32
    %broadcast_in_dim3A_59 = vector.broadcast %jit3A_58 : i32 to vector<512x1024xi32>
    %select_n3A_60 = arith.select %ge3A_57, %iota3A_54, %broadcast_in_dim3A_59 : vector<512x1024xi1>, vector<512x1024xi32>
    %reduce_min3A_61 = arith.constant dense<2147483647> : vector<512xi32>
    %reduce_min3A_62 = vector.multi_reduction <minsi>, %select_n3A_60, %reduce_min3A_61 [1] : vector<512x1024xi32> to vector<512xi32>
    %add3A_63 = arith.constant 1024 : i32
    %add3A_64 = vector.broadcast %add3A_63 : i32 to vector<512xi32>
    %add3A_65 = arith.addi %reduce_min3A_62, %add3A_64 : vector<512xi32>
    %gt3A_66 = arith.cmpf ogt, %reduce_max3A_53, %select_n3A_30 : vector<512xf32>
    %select_n3A_67 = arith.select %gt3A_66, %reduce_max3A_53, %select_n3A_30 : vector<512xi1>, vector<512xf32>
    %select_n3A_68 = arith.select %gt3A_66, %add3A_65, %select_n3A_31 : vector<512xi1>, vector<512xi32>
    %get3A_69 = arith.constant 0 : index
    %get3A_70 = arith.constant 2048 : index
    %get3A_71 = vector.load %arg2[%get3A_69, %get3A_70] : memref<32x8192xf32, #tpu.memory_space<vmem>>, vector<32x1024xf32>
    %mul3A_72 = arith.mulf %get3A_71, %get3A_71 : vector<32x1024xf32>
    %reduce_sum3A_73 = arith.constant dense<0.000000e+00> : vector<1024xf32>
    %reduce_sum3A_74 = vector.multi_reduction <add>, %mul3A_72, %reduce_sum3A_73 [0] : vector<32x1024xf32> to vector<1024xf32>
    %dot_general3A_75 = arith.constant dense<0.000000e+00> : vector<512x1024xf32>
    %dot_general3A_76 = tpu.matmul %get3A_1, %get3A_71, %dot_general3A_75 {dimension_numbers = #tpu.dot_dimension_numbers<[1], [0], [0], [1], [0, 0, 1, 1], [], []>, transpose_lhs_hint = false} : vector<512x32xf32>, vector<32x1024xf32>, vector<512x1024xf32> -> vector<512x1024xf32>
    %broadcast_in_dim3A_77 = vector.shape_cast %reduce_sum3A_2 : vector<512xf32> to vector<512x1xf32>
    %mul3A_78 = arith.constant 2.000000e+00 : f32
    %mul3A_79 = vector.broadcast %mul3A_78 : f32 to vector<512x1024xf32>
    %mul3A_80 = arith.mulf %mul3A_79, %dot_general3A_76 : vector<512x1024xf32>
    %sub3A_81 = vector.broadcast %broadcast_in_dim3A_77 : vector<512x1xf32> to vector<512x1024xf32>
    %sub3A_82 = arith.subf %sub3A_81, %mul3A_80 : vector<512x1024xf32>
    %broadcast_in_dim3A_83 = vector.shape_cast %reduce_sum3A_74 : vector<1024xf32> to vector<1x1024xf32>
    %add3A_84 = vector.broadcast %broadcast_in_dim3A_83 : vector<1x1024xf32> to vector<512x1024xf32>
    %add3A_85 = arith.addf %sub3A_82, %add3A_84 : vector<512x1024xf32>
    %neg3A_86 = arith.constant 0.000000e+00 : f32
    %neg3A_87 = vector.broadcast %neg3A_86 : f32 to vector<512x1024xf32>
    %neg3A_88 = arith.subf %neg3A_87, %add3A_85 : vector<512x1024xf32>
    %reduce_max3A_89 = arith.constant dense<0xFF800000> : vector<512xf32>
    %reduce_max3A_90 = vector.multi_reduction <maximumf>, %neg3A_88, %reduce_max3A_89 [1] : vector<512x1024xf32> to vector<512xf32>
    %iota3A_91 = tpu.iota {dimensions = array<i32: 1>} : vector<512x1024xi32>
    %broadcast_in_dim3A_92 = vector.shape_cast %reduce_max3A_90 : vector<512xf32> to vector<512x1xf32>
    %ge3A_93 = vector.broadcast %broadcast_in_dim3A_92 : vector<512x1xf32> to vector<512x1024xf32>
    %ge3A_94 = arith.cmpf oge, %neg3A_88, %ge3A_93 : vector<512x1024xf32>
    %jit3A_95 = arith.constant 1024 : i32
    %broadcast_in_dim3A_96 = vector.broadcast %jit3A_95 : i32 to vector<512x1024xi32>
    %select_n3A_97 = arith.select %ge3A_94, %iota3A_91, %broadcast_in_dim3A_96 : vector<512x1024xi1>, vector<512x1024xi32>
    %reduce_min3A_98 = arith.constant dense<2147483647> : vector<512xi32>
    %reduce_min3A_99 = vector.multi_reduction <minsi>, %select_n3A_97, %reduce_min3A_98 [1] : vector<512x1024xi32> to vector<512xi32>
    %add3A_100 = arith.constant 2048 : i32
    %add3A_101 = vector.broadcast %add3A_100 : i32 to vector<512xi32>
    %add3A_102 = arith.addi %reduce_min3A_99, %add3A_101 : vector<512xi32>
    %gt3A_103 = arith.cmpf ogt, %reduce_max3A_90, %select_n3A_67 : vector<512xf32>
    %select_n3A_104 = arith.select %gt3A_103, %reduce_max3A_90, %select_n3A_67 : vector<512xi1>, vector<512xf32>
    %select_n3A_105 = arith.select %gt3A_103, %add3A_102, %select_n3A_68 : vector<512xi1>, vector<512xi32>
    %get3A_106 = arith.constant 0 : index
    %get3A_107 = arith.constant 3072 : index
    %get3A_108 = vector.load %arg2[%get3A_106, %get3A_107] : memref<32x8192xf32, #tpu.memory_space<vmem>>, vector<32x1024xf32>
    %mul3A_109 = arith.mulf %get3A_108, %get3A_108 : vector<32x1024xf32>
    %reduce_sum3A_110 = arith.constant dense<0.000000e+00> : vector<1024xf32>
    %reduce_sum3A_111 = vector.multi_reduction <add>, %mul3A_109, %reduce_sum3A_110 [0] : vector<32x1024xf32> to vector<1024xf32>
    %dot_general3A_112 = arith.constant dense<0.000000e+00> : vector<512x1024xf32>
    %dot_general3A_113 = tpu.matmul %get3A_1, %get3A_108, %dot_general3A_112 {dimension_numbers = #tpu.dot_dimension_numbers<[1], [0], [0], [1], [0, 0, 1, 1], [], []>, transpose_lhs_hint = false} : vector<512x32xf32>, vector<32x1024xf32>, vector<512x1024xf32> -> vector<512x1024xf32>
    %broadcast_in_dim3A_114 = vector.shape_cast %reduce_sum3A_2 : vector<512xf32> to vector<512x1xf32>
    %mul3A_115 = arith.constant 2.000000e+00 : f32
    %mul3A_116 = vector.broadcast %mul3A_115 : f32 to vector<512x1024xf32>
    %mul3A_117 = arith.mulf %mul3A_116, %dot_general3A_113 : vector<512x1024xf32>
    %sub3A_118 = vector.broadcast %broadcast_in_dim3A_114 : vector<512x1xf32> to vector<512x1024xf32>
    %sub3A_119 = arith.subf %sub3A_118, %mul3A_117 : vector<512x1024xf32>
    %broadcast_in_dim3A_120 = vector.shape_cast %reduce_sum3A_111 : vector<1024xf32> to vector<1x1024xf32>
    %add3A_121 = vector.broadcast %broadcast_in_dim3A_120 : vector<1x1024xf32> to vector<512x1024xf32>
    %add3A_122 = arith.addf %sub3A_119, %add3A_121 : vector<512x1024xf32>
    %neg3A_123 = arith.constant 0.000000e+00 : f32
    %neg3A_124 = vector.broadcast %neg3A_123 : f32 to vector<512x1024xf32>
    %neg3A_125 = arith.subf %neg3A_124, %add3A_122 : vector<512x1024xf32>
    %reduce_max3A_126 = arith.constant dense<0xFF800000> : vector<512xf32>
    %reduce_max3A_127 = vector.multi_reduction <maximumf>, %neg3A_125, %reduce_max3A_126 [1] : vector<512x1024xf32> to vector<512xf32>
    %iota3A_128 = tpu.iota {dimensions = array<i32: 1>} : vector<512x1024xi32>
    %broadcast_in_dim3A_129 = vector.shape_cast %reduce_max3A_127 : vector<512xf32> to vector<512x1xf32>
    %ge3A_130 = vector.broadcast %broadcast_in_dim3A_129 : vector<512x1xf32> to vector<512x1024xf32>
    %ge3A_131 = arith.cmpf oge, %neg3A_125, %ge3A_130 : vector<512x1024xf32>
    %jit3A_132 = arith.constant 1024 : i32
    %broadcast_in_dim3A_133 = vector.broadcast %jit3A_132 : i32 to vector<512x1024xi32>
    %select_n3A_134 = arith.select %ge3A_131, %iota3A_128, %broadcast_in_dim3A_133 : vector<512x1024xi1>, vector<512x1024xi32>
    %reduce_min3A_135 = arith.constant dense<2147483647> : vector<512xi32>
    %reduce_min3A_136 = vector.multi_reduction <minsi>, %select_n3A_134, %reduce_min3A_135 [1] : vector<512x1024xi32> to vector<512xi32>
    %add3A_137 = arith.constant 3072 : i32
    %add3A_138 = vector.broadcast %add3A_137 : i32 to vector<512xi32>
    %add3A_139 = arith.addi %reduce_min3A_136, %add3A_138 : vector<512xi32>
    %gt3A_140 = arith.cmpf ogt, %reduce_max3A_127, %select_n3A_104 : vector<512xf32>
    %select_n3A_141 = arith.select %gt3A_140, %reduce_max3A_127, %select_n3A_104 : vector<512xi1>, vector<512xf32>
    %select_n3A_142 = arith.select %gt3A_140, %add3A_139, %select_n3A_105 : vector<512xi1>, vector<512xi32>
    %broadcast_in_dim3A_143 = arith.constant 0xFF800000 : f32
    %broadcast_in_dim3A_144 = vector.broadcast %broadcast_in_dim3A_143 : f32 to vector<512xf32>
    %broadcast_in_dim3A_145 = arith.constant 0 : i32
    %broadcast_in_dim3A_146 = vector.broadcast %broadcast_in_dim3A_145 : i32 to vector<512xi32>
    %get3A_147 = arith.constant 0 : index
    %get3A_148 = arith.constant 4096 : index
    %get3A_149 = vector.load %arg2[%get3A_147, %get3A_148] : memref<32x8192xf32, #tpu.memory_space<vmem>>, vector<32x1024xf32>
    %mul3A_150 = arith.mulf %get3A_149, %get3A_149 : vector<32x1024xf32>
    %reduce_sum3A_151 = arith.constant dense<0.000000e+00> : vector<1024xf32>
    %reduce_sum3A_152 = vector.multi_reduction <add>, %mul3A_150, %reduce_sum3A_151 [0] : vector<32x1024xf32> to vector<1024xf32>
    %dot_general3A_153 = arith.constant dense<0.000000e+00> : vector<512x1024xf32>
    %dot_general3A_154 = tpu.matmul %get3A_1, %get3A_149, %dot_general3A_153 {dimension_numbers = #tpu.dot_dimension_numbers<[1], [0], [0], [1], [0, 0, 1, 1], [], []>, transpose_lhs_hint = false} : vector<512x32xf32>, vector<32x1024xf32>, vector<512x1024xf32> -> vector<512x1024xf32>
    %broadcast_in_dim3A_155 = vector.shape_cast %reduce_sum3A_2 : vector<512xf32> to vector<512x1xf32>
    %mul3A_156 = arith.constant 2.000000e+00 : f32
    %mul3A_157 = vector.broadcast %mul3A_156 : f32 to vector<512x1024xf32>
    %mul3A_158 = arith.mulf %mul3A_157, %dot_general3A_154 : vector<512x1024xf32>
    %sub3A_159 = vector.broadcast %broadcast_in_dim3A_155 : vector<512x1xf32> to vector<512x1024xf32>
    %sub3A_160 = arith.subf %sub3A_159, %mul3A_158 : vector<512x1024xf32>
    %broadcast_in_dim3A_161 = vector.shape_cast %reduce_sum3A_152 : vector<1024xf32> to vector<1x1024xf32>
    %add3A_162 = vector.broadcast %broadcast_in_dim3A_161 : vector<1x1024xf32> to vector<512x1024xf32>
    %add3A_163 = arith.addf %sub3A_160, %add3A_162 : vector<512x1024xf32>
    %neg3A_164 = arith.constant 0.000000e+00 : f32
    %neg3A_165 = vector.broadcast %neg3A_164 : f32 to vector<512x1024xf32>
    %neg3A_166 = arith.subf %neg3A_165, %add3A_163 : vector<512x1024xf32>
    %reduce_max3A_167 = arith.constant dense<0xFF800000> : vector<512xf32>
    %reduce_max3A_168 = vector.multi_reduction <maximumf>, %neg3A_166, %reduce_max3A_167 [1] : vector<512x1024xf32> to vector<512xf32>
    %iota3A_169 = tpu.iota {dimensions = array<i32: 1>} : vector<512x1024xi32>
    %broadcast_in_dim3A_170 = vector.shape_cast %reduce_max3A_168 : vector<512xf32> to vector<512x1xf32>
    %ge3A_171 = vector.broadcast %broadcast_in_dim3A_170 : vector<512x1xf32> to vector<512x1024xf32>
    %ge3A_172 = arith.cmpf oge, %neg3A_166, %ge3A_171 : vector<512x1024xf32>
    %jit3A_173 = arith.constant 1024 : i32
    %broadcast_in_dim3A_174 = vector.broadcast %jit3A_173 : i32 to vector<512x1024xi32>
    %select_n3A_175 = arith.select %ge3A_172, %iota3A_169, %broadcast_in_dim3A_174 : vector<512x1024xi1>, vector<512x1024xi32>
    %reduce_min3A_176 = arith.constant dense<2147483647> : vector<512xi32>
    %reduce_min3A_177 = vector.multi_reduction <minsi>, %select_n3A_175, %reduce_min3A_176 [1] : vector<512x1024xi32> to vector<512xi32>
    %add3A_178 = arith.constant 4096 : i32
    %add3A_179 = vector.broadcast %add3A_178 : i32 to vector<512xi32>
    %add3A_180 = arith.addi %reduce_min3A_177, %add3A_179 : vector<512xi32>
    %gt3A_181 = arith.cmpf ogt, %reduce_max3A_168, %broadcast_in_dim3A_144 : vector<512xf32>
    %select_n3A_182 = arith.select %gt3A_181, %reduce_max3A_168, %broadcast_in_dim3A_144 : vector<512xi1>, vector<512xf32>
    %select_n3A_183 = arith.select %gt3A_181, %add3A_180, %broadcast_in_dim3A_146 : vector<512xi1>, vector<512xi32>
    %get3A_184 = arith.constant 0 : index
    %get3A_185 = arith.constant 5120 : index
    %get3A_186 = vector.load %arg2[%get3A_184, %get3A_185] : memref<32x8192xf32, #tpu.memory_space<vmem>>, vector<32x1024xf32>
    %mul3A_187 = arith.mulf %get3A_186, %get3A_186 : vector<32x1024xf32>
    %reduce_sum3A_188 = arith.constant dense<0.000000e+00> : vector<1024xf32>
    %reduce_sum3A_189 = vector.multi_reduction <add>, %mul3A_187, %reduce_sum3A_188 [0] : vector<32x1024xf32> to vector<1024xf32>
    %dot_general3A_190 = arith.constant dense<0.000000e+00> : vector<512x1024xf32>
    %dot_general3A_191 = tpu.matmul %get3A_1, %get3A_186, %dot_general3A_190 {dimension_numbers = #tpu.dot_dimension_numbers<[1], [0], [0], [1], [0, 0, 1, 1], [], []>, transpose_lhs_hint = false} : vector<512x32xf32>, vector<32x1024xf32>, vector<512x1024xf32> -> vector<512x1024xf32>
    %broadcast_in_dim3A_192 = vector.shape_cast %reduce_sum3A_2 : vector<512xf32> to vector<512x1xf32>
    %mul3A_193 = arith.constant 2.000000e+00 : f32
    %mul3A_194 = vector.broadcast %mul3A_193 : f32 to vector<512x1024xf32>
    %mul3A_195 = arith.mulf %mul3A_194, %dot_general3A_191 : vector<512x1024xf32>
    %sub3A_196 = vector.broadcast %broadcast_in_dim3A_192 : vector<512x1xf32> to vector<512x1024xf32>
    %sub3A_197 = arith.subf %sub3A_196, %mul3A_195 : vector<512x1024xf32>
    %broadcast_in_dim3A_198 = vector.shape_cast %reduce_sum3A_189 : vector<1024xf32> to vector<1x1024xf32>
    %add3A_199 = vector.broadcast %broadcast_in_dim3A_198 : vector<1x1024xf32> to vector<512x1024xf32>
    %add3A_200 = arith.addf %sub3A_197, %add3A_199 : vector<512x1024xf32>
    %neg3A_201 = arith.constant 0.000000e+00 : f32
    %neg3A_202 = vector.broadcast %neg3A_201 : f32 to vector<512x1024xf32>
    %neg3A_203 = arith.subf %neg3A_202, %add3A_200 : vector<512x1024xf32>
    %reduce_max3A_204 = arith.constant dense<0xFF800000> : vector<512xf32>
    %reduce_max3A_205 = vector.multi_reduction <maximumf>, %neg3A_203, %reduce_max3A_204 [1] : vector<512x1024xf32> to vector<512xf32>
    %iota3A_206 = tpu.iota {dimensions = array<i32: 1>} : vector<512x1024xi32>
    %broadcast_in_dim3A_207 = vector.shape_cast %reduce_max3A_205 : vector<512xf32> to vector<512x1xf32>
    %ge3A_208 = vector.broadcast %broadcast_in_dim3A_207 : vector<512x1xf32> to vector<512x1024xf32>
    %ge3A_209 = arith.cmpf oge, %neg3A_203, %ge3A_208 : vector<512x1024xf32>
    %jit3A_210 = arith.constant 1024 : i32
    %broadcast_in_dim3A_211 = vector.broadcast %jit3A_210 : i32 to vector<512x1024xi32>
    %select_n3A_212 = arith.select %ge3A_209, %iota3A_206, %broadcast_in_dim3A_211 : vector<512x1024xi1>, vector<512x1024xi32>
    %reduce_min3A_213 = arith.constant dense<2147483647> : vector<512xi32>
    %reduce_min3A_214 = vector.multi_reduction <minsi>, %select_n3A_212, %reduce_min3A_213 [1] : vector<512x1024xi32> to vector<512xi32>
    %add3A_215 = arith.constant 5120 : i32
    %add3A_216 = vector.broadcast %add3A_215 : i32 to vector<512xi32>
    %add3A_217 = arith.addi %reduce_min3A_214, %add3A_216 : vector<512xi32>
    %gt3A_218 = arith.cmpf ogt, %reduce_max3A_205, %select_n3A_182 : vector<512xf32>
    %select_n3A_219 = arith.select %gt3A_218, %reduce_max3A_205, %select_n3A_182 : vector<512xi1>, vector<512xf32>
    %select_n3A_220 = arith.select %gt3A_218, %add3A_217, %select_n3A_183 : vector<512xi1>, vector<512xi32>
    %get3A_221 = arith.constant 0 : index
    %get3A_222 = arith.constant 6144 : index
    %get3A_223 = vector.load %arg2[%get3A_221, %get3A_222] : memref<32x8192xf32, #tpu.memory_space<vmem>>, vector<32x1024xf32>
    %mul3A_224 = arith.mulf %get3A_223, %get3A_223 : vector<32x1024xf32>
    %reduce_sum3A_225 = arith.constant dense<0.000000e+00> : vector<1024xf32>
    %reduce_sum3A_226 = vector.multi_reduction <add>, %mul3A_224, %reduce_sum3A_225 [0] : vector<32x1024xf32> to vector<1024xf32>
    %dot_general3A_227 = arith.constant dense<0.000000e+00> : vector<512x1024xf32>
    %dot_general3A_228 = tpu.matmul %get3A_1, %get3A_223, %dot_general3A_227 {dimension_numbers = #tpu.dot_dimension_numbers<[1], [0], [0], [1], [0, 0, 1, 1], [], []>, transpose_lhs_hint = false} : vector<512x32xf32>, vector<32x1024xf32>, vector<512x1024xf32> -> vector<512x1024xf32>
    %broadcast_in_dim3A_229 = vector.shape_cast %reduce_sum3A_2 : vector<512xf32> to vector<512x1xf32>
    %mul3A_230 = arith.constant 2.000000e+00 : f32
    %mul3A_231 = vector.broadcast %mul3A_230 : f32 to vector<512x1024xf32>
    %mul3A_232 = arith.mulf %mul3A_231, %dot_general3A_228 : vector<512x1024xf32>
    %sub3A_233 = vector.broadcast %broadcast_in_dim3A_229 : vector<512x1xf32> to vector<512x1024xf32>
    %sub3A_234 = arith.subf %sub3A_233, %mul3A_232 : vector<512x1024xf32>
    %broadcast_in_dim3A_235 = vector.shape_cast %reduce_sum3A_226 : vector<1024xf32> to vector<1x1024xf32>
    %add3A_236 = vector.broadcast %broadcast_in_dim3A_235 : vector<1x1024xf32> to vector<512x1024xf32>
    %add3A_237 = arith.addf %sub3A_234, %add3A_236 : vector<512x1024xf32>
    %neg3A_238 = arith.constant 0.000000e+00 : f32
    %neg3A_239 = vector.broadcast %neg3A_238 : f32 to vector<512x1024xf32>
    %neg3A_240 = arith.subf %neg3A_239, %add3A_237 : vector<512x1024xf32>
    %reduce_max3A_241 = arith.constant dense<0xFF800000> : vector<512xf32>
    %reduce_max3A_242 = vector.multi_reduction <maximumf>, %neg3A_240, %reduce_max3A_241 [1] : vector<512x1024xf32> to vector<512xf32>
    %iota3A_243 = tpu.iota {dimensions = array<i32: 1>} : vector<512x1024xi32>
    %broadcast_in_dim3A_244 = vector.shape_cast %reduce_max3A_242 : vector<512xf32> to vector<512x1xf32>
    %ge3A_245 = vector.broadcast %broadcast_in_dim3A_244 : vector<512x1xf32> to vector<512x1024xf32>
    %ge3A_246 = arith.cmpf oge, %neg3A_240, %ge3A_245 : vector<512x1024xf32>
    %jit3A_247 = arith.constant 1024 : i32
    %broadcast_in_dim3A_248 = vector.broadcast %jit3A_247 : i32 to vector<512x1024xi32>
    %select_n3A_249 = arith.select %ge3A_246, %iota3A_243, %broadcast_in_dim3A_248 : vector<512x1024xi1>, vector<512x1024xi32>
    %reduce_min3A_250 = arith.constant dense<2147483647> : vector<512xi32>
    %reduce_min3A_251 = vector.multi_reduction <minsi>, %select_n3A_249, %reduce_min3A_250 [1] : vector<512x1024xi32> to vector<512xi32>
    %add3A_252 = arith.constant 6144 : i32
    %add3A_253 = vector.broadcast %add3A_252 : i32 to vector<512xi32>
    %add3A_254 = arith.addi %reduce_min3A_251, %add3A_253 : vector<512xi32>
    %gt3A_255 = arith.cmpf ogt, %reduce_max3A_242, %select_n3A_219 : vector<512xf32>
    %select_n3A_256 = arith.select %gt3A_255, %reduce_max3A_242, %select_n3A_219 : vector<512xi1>, vector<512xf32>
    %select_n3A_257 = arith.select %gt3A_255, %add3A_254, %select_n3A_220 : vector<512xi1>, vector<512xi32>
    %get3A_258 = arith.constant 0 : index
    %get3A_259 = arith.constant 7168 : index
    %get3A_260 = vector.load %arg2[%get3A_258, %get3A_259] : memref<32x8192xf32, #tpu.memory_space<vmem>>, vector<32x1024xf32>
    %mul3A_261 = arith.mulf %get3A_260, %get3A_260 : vector<32x1024xf32>
    %reduce_sum3A_262 = arith.constant dense<0.000000e+00> : vector<1024xf32>
    %reduce_sum3A_263 = vector.multi_reduction <add>, %mul3A_261, %reduce_sum3A_262 [0] : vector<32x1024xf32> to vector<1024xf32>
    %dot_general3A_264 = arith.constant dense<0.000000e+00> : vector<512x1024xf32>
    %dot_general3A_265 = tpu.matmul %get3A_1, %get3A_260, %dot_general3A_264 {dimension_numbers = #tpu.dot_dimension_numbers<[1], [0], [0], [1], [0, 0, 1, 1], [], []>, transpose_lhs_hint = false} : vector<512x32xf32>, vector<32x1024xf32>, vector<512x1024xf32> -> vector<512x1024xf32>
    %broadcast_in_dim3A_266 = vector.shape_cast %reduce_sum3A_2 : vector<512xf32> to vector<512x1xf32>
    %mul3A_267 = arith.constant 2.000000e+00 : f32
    %mul3A_268 = vector.broadcast %mul3A_267 : f32 to vector<512x1024xf32>
    %mul3A_269 = arith.mulf %mul3A_268, %dot_general3A_265 : vector<512x1024xf32>
    %sub3A_270 = vector.broadcast %broadcast_in_dim3A_266 : vector<512x1xf32> to vector<512x1024xf32>
    %sub3A_271 = arith.subf %sub3A_270, %mul3A_269 : vector<512x1024xf32>
    %broadcast_in_dim3A_272 = vector.shape_cast %reduce_sum3A_263 : vector<1024xf32> to vector<1x1024xf32>
    %add3A_273 = vector.broadcast %broadcast_in_dim3A_272 : vector<1x1024xf32> to vector<512x1024xf32>
    %add3A_274 = arith.addf %sub3A_271, %add3A_273 : vector<512x1024xf32>
    %neg3A_275 = arith.constant 0.000000e+00 : f32
    %neg3A_276 = vector.broadcast %neg3A_275 : f32 to vector<512x1024xf32>
    %neg3A_277 = arith.subf %neg3A_276, %add3A_274 : vector<512x1024xf32>
    %reduce_max3A_278 = arith.constant dense<0xFF800000> : vector<512xf32>
    %reduce_max3A_279 = vector.multi_reduction <maximumf>, %neg3A_277, %reduce_max3A_278 [1] : vector<512x1024xf32> to vector<512xf32>
    %iota3A_280 = tpu.iota {dimensions = array<i32: 1>} : vector<512x1024xi32>
    %broadcast_in_dim3A_281 = vector.shape_cast %reduce_max3A_279 : vector<512xf32> to vector<512x1xf32>
    %ge3A_282 = vector.broadcast %broadcast_in_dim3A_281 : vector<512x1xf32> to vector<512x1024xf32>
    %ge3A_283 = arith.cmpf oge, %neg3A_277, %ge3A_282 : vector<512x1024xf32>
    %jit3A_284 = arith.constant 1024 : i32
    %broadcast_in_dim3A_285 = vector.broadcast %jit3A_284 : i32 to vector<512x1024xi32>
    %select_n3A_286 = arith.select %ge3A_283, %iota3A_280, %broadcast_in_dim3A_285 : vector<512x1024xi1>, vector<512x1024xi32>
    %reduce_min3A_287 = arith.constant dense<2147483647> : vector<512xi32>
    %reduce_min3A_288 = vector.multi_reduction <minsi>, %select_n3A_286, %reduce_min3A_287 [1] : vector<512x1024xi32> to vector<512xi32>
    %add3A_289 = arith.constant 7168 : i32
    %add3A_290 = vector.broadcast %add3A_289 : i32 to vector<512xi32>
    %add3A_291 = arith.addi %reduce_min3A_288, %add3A_290 : vector<512xi32>
    %gt3A_292 = arith.cmpf ogt, %reduce_max3A_279, %select_n3A_256 : vector<512xf32>
    %select_n3A_293 = arith.select %gt3A_292, %reduce_max3A_279, %select_n3A_256 : vector<512xi1>, vector<512xf32>
    %select_n3A_294 = arith.select %gt3A_292, %add3A_291, %select_n3A_257 : vector<512xi1>, vector<512xi32>
    %convert_element_type3A = arith.truncf %select_n3A_141 : vector<512xf32> to vector<512xbf16>
    %convert_element_type3A_295 = arith.extf %convert_element_type3A : vector<512xbf16> to vector<512xf32>
    %gt3A_296 = arith.cmpf ogt, %select_n3A_293, %convert_element_type3A_295 : vector<512xf32>
    %select_n3A_297 = arith.select %gt3A_296, %select_n3A_294, %select_n3A_142 : vector<512xi1>, vector<512xi32>
    %select_n3A_298 = arith.select %gt3A_296, %select_n3A_293, %select_n3A_141 : vector<512xi1>, vector<512xf32>
    %reshape3A = vector.shape_cast %select_n3A_297 : vector<512xi32> to vector<1x1x512xi32>
    %swap3A = arith.constant 0 : index
    %swap3A_299 = arith.constant 0 : index
    %swap3A_300 = arith.constant 0 : index
    %swap3A_301 = vector.load %arg3[%swap3A, %swap3A_299, %swap3A_300] : memref<1x1x512xi32, #tpu.memory_space<vmem>>, vector<1x1x512xi32>
    tpu.vector_store %arg3[%swap3A, %swap3A_299, %swap3A_300], %reshape3A {strides = array<i32>} : memref<1x1x512xi32, #tpu.memory_space<vmem>>, vector<1x1x512xi32>,
    %neg3A_302 = arith.constant 0.000000e+00 : f32
    %neg3A_303 = vector.broadcast %neg3A_302 : f32 to vector<512xf32>
    %neg3A_304 = arith.subf %neg3A_303, %select_n3A_298 : vector<512xf32>
    %reduce_sum3A_305 = vector.shape_cast %neg3A_304 : vector<512xf32> to vector<1x512xf32>
    %reduce_sum3A_306 = arith.constant dense<0.000000e+00> : vector<1xf32>
    %reduce_sum3A_307 = vector.multi_reduction <add>, %reduce_sum3A_305, %reduce_sum3A_306 [1] : vector<1x512xf32> to vector<1xf32>
    %reduce_sum3A_308 = vector.shape_cast %reduce_sum3A_307 : vector<1xf32> to vector<1x1xf32>
    %reduce_sum3A_309 = vector.extract %reduce_sum3A_308[0, 0] : f32 from vector<1x1xf32>
    %reshape3A_310 = vector.broadcast %reduce_sum3A_309 : f32 to vector<1x1x1xf32>
    %swap3A_311 = arith.constant 0 : index
    %swap3A_312 = arith.constant 0 : index
    %swap3A_313 = arith.constant 0 : index
    %swap3A_314 = vector.load %arg4[%swap3A_311, %swap3A_312, %swap3A_313] : memref<1x1x1xf32, #tpu.memory_space<vmem>>, vector<1x1x1xf32>
    tpu.vector_store %arg4[%swap3A_311, %swap3A_312, %swap3A_313], %reshape3A_310 {strides = array<i32>} : memref<1x1x1xf32, #tpu.memory_space<vmem>>, vector<1x1x1xf32>,
    return
  }
  func.func @transform_0(%arg0: i32) -> (i32, i32) {
    %c0_i32 = arith.constant 0 : i32
    %c0_i32_0 = arith.constant 0 : i32
    return %arg0, %c0_i32 : i32, i32
  }
  func.func @transform_1(%arg0: i32) -> (i32, i32) {
    %c0_i32 = arith.constant 0 : i32
    %c0_i32_0 = arith.constant 0 : i32
    %c0_i32_1 = arith.constant 0 : i32
    return %c0_i32, %c0_i32_0 : i32, i32
  }
  func.func @transform_2(%arg0: i32) -> (i32, i32, i32) {
    %c0_i32 = arith.constant 0 : i32
    %c0_i32_0 = arith.constant 0 : i32
    %c0_i32_1 = arith.constant 0 : i32
    return %arg0, %c0_i32, %c0_i32_0 : i32, i32, i32
  }
  func.func @transform_3(%arg0: i32) -> (i32, i32, i32) {
    %c0_i32 = arith.constant 0 : i32
    %c0_i32_0 = arith.constant 0 : i32
    %c0_i32_1 = arith.constant 0 : i32
    return %arg0, %c0_i32, %c0_i32_0 : i32, i32, i32
  }
}

</mosaic_0001>

<sc_bundles>
// kernel: kernel.4.cloned.1.call-start
scs
__scs_entry_jumppad:
0x0: {  	(pc) =	sbr.rel $0x88, $3  }
0x1: {  	(tag) =	ssettag $0x0;
	lr =	simm.s32 $0x1  }
0x2: {  	[smem:$0x3F9F] =	sst lr;
	_ =	strace $0xD0000000  }
0x3: {  	_ = 	snop  }
0x4: {  	_ = 	snop  }
0x5: {  	_ = 	snop  }
0x6: {  	_ = 	snop  }
0x7: {  	_ = 	snop  }
__scs_overlays_trampoline_lowered:
0x8: {  	[smem:$0x3FAE] =	sst s0  }
0x9: {  	[smem:$0x3FAF] =	sst s1  }
0xa: {  	[smem:$0x3FB0] =	sst s2  }
0xb: {  	[smem:$0x3FB1] =	sst s3  }
0xc: {  	[smem:$0x3FB2] =	sst s4  }
0xd: {  	[smem:$0x3FB3] =	sst s5  }
0xe: {  	[smem:$0x3FB4] =	sst s6  }
0xf: {  	[smem:$0x3FB5] =	sst s7  }
0x10: {  	[smem:$0x3FB6] =	sst s8  }
0x11: {  	[smem:$0x3FB7] =	sst s9;
	s0 =	simm.s32 @!p0 $0x0  }
0x12: {  	s1 =	sld [smem:$0x3F9D];
	s0 =	simm.s32 @p0 $0x1  }
0x13: {  	[smem:$0x3FB8] =	sst s0;
	s0 =	simm.s32 @!p1 $0x0  }
0x14: {  	s2 =	sld [smem:$0x3F9C];
	s0 =	simm.s32 @p1 $0x1  }
0x15: {  	[smem:$0x3FB9] =	sst s0;
	s0 =	simm.s32 @!p2 $0x0  }
0x16: {  	s3 =	sld [smem:$0x3FDB];
	s0 =	simm.s32 @p2 $0x1  }
0x17: {  	s4 =	simm.s32 $0x1BF5;
	[smem:$0x3FBB] =	sst s0  }
0x18: {  	s0 =	sld [smem:$0x3F9E];
	_ =	swait.ge [sflag:s4], $0x0  }
0x19: {  	s7 =	sld [smem:$0x3F9F]  }
0x1a: {  	s8 =	sadd.s32 $0xFFFFE003, lr  }
0x1b: {  	s9 =	sadd.s32 $0xFFFFFEF7, lr;
	s5 =	simm.s32 $0xFFFFFFFF;
	p2 =	slt.u32 s8, $0xFFFFF086  }
0x1c: {  	p1 =	slt.u32 s9, $0xF7A;
	s5 =	simm.s32 @!p2 $0x0  }
0x1d: {  	s5 =	simm.s32 @p1 $0x1;
	p0 =	seq.s32 s7, s2  }
0x1e: {  	s7 =	smul.u32 @!p0 $0xF7A, s2;
	p2 =	seq.s32 @!p0 s5, $0x0  }
0x1f: {  	s9 =	smul.u32 $0xF7A, s1;
	s8 =	simm.s32 @!p0 $0x1BF5;
	p2 =	por !p2, p0  }
0x20: {  	[sflag:s8] =	ssyncset.s32 @!p0 $0xFFFFF086;
	s6 =	sadd.s32 @!p0 s3, s7;
	s7 =	simm.s32 @!p0 $0x108  }
0x21: {  	s3 =	sadd.s32 s3, s9;
	s6 =	sadd.s32 @!p0 $0x88, s6;
	s7 =	simm.s32 @p2 $0x1082  }
0x22: {  	[simem:s7], [sflag:s8] =	dma.local @!p0 [hbm:s6], $0xF7A  }
0x23: {  	s9 =	sor.u32 $0xD0000000, s2;
	s6 =	simm.s32 $0x108;
	_ =	swait.ge @!p0 [sflag:s8], $0x0  }
0x24: {  	s3 =	sadd.s32 $0x88, s3;
	s6 =	simm.s32 @!p1 $0x1082;
	[sflag:s4] =	ssyncset.s32 $0xFFFFF086  }
0x25: {  	[simem:s6], [sflag:s4] =	dma.local [hbm:s3], $0xF7A  }
0x26: {  	[smem:$0x3F9F] =	sst s1;
	(tag) =	ssettag s2;
	_ =	strace s9  }
0x27: {  	s1 =	sld [smem:$0x3FAF]  }
0x28: {  	s2 =	sld [smem:$0x3FB0]  }
0x29: {  	s4 =	sld [smem:$0x3FB2]  }
0x2a: {  	p0 =	seq.s32 s5, $0x0;
	s5 =	sld [smem:$0x3FB3]  }
0x2b: {  	s6 =	sld [smem:$0x3FB4]  }
0x2c: {  	s7 =	sld [smem:$0x3FB5]  }
0x2d: {  	s3 =	simm.s32 $0x108;
	s8 =	sld [smem:$0x3FB6]  }
0x2e: {  	s3 =	simm.s32 @!p0 $0x1082;
	s9 =	sld [smem:$0x3FB7]  }
0x2f: {  	lr =	sadd.s32 s0, s3;
	s0 =	sld [smem:$0x3FAE]  }
0x30: {  	s3 =	sld [smem:$0x3FB1]  }
0x31: {  	[smem:$0x3FBA] =	sst s10  }
0x32: {  	s10 =	sld [smem:$0x3FB8];
	_ =	sdelay $0x3  }
0x33: {  	p0 =	seq.s32 s10, $0x1;
	s10 =	sld [smem:$0x3FBA];
	_ =	sdelay $0x3  }
0x34: {  	[smem:$0x3FBA] =	sst s10  }
0x35: {  	s10 =	sld [smem:$0x3FB9];
	_ =	sdelay $0x3  }
0x36: {  	p1 =	seq.s32 s10, $0x1;
	s10 =	sld [smem:$0x3FBA];
	_ =	sdelay $0x3  }
0x37: {  	[smem:$0x3FBA] =	sst s10  }
0x38: {  	s10 =	sld [smem:$0x3FBB]  }
0x39: {  	_ = 	snop;
	(pc) =	sbr.ind lr, $3  }
0x3a: {  	_ = 	snop  }
0x3b: {  	_ = 	snop  }
0x3c: {  	p2 =	seq.s32 s10, $0x1;
	s10 =	sld [smem:$0x3FBA]  }
0x3d: {  	_ =	shalt  }
0x3e: {  	_ =	shalt  }
0x3f: {  	_ =	shalt  }
0x40: {  	_ =	shalt  }
0x41: {  	_ =	shalt  }
0x42: {  	_ =	shalt  }
0x43: {  	_ =	shalt  }
0x44: {  	_ =	shalt  }
0x45: {  	_ =	shalt  }
0x46: {  	_ =	shalt  }
0x47: {  	_ =	shalt  }
0x48: {  	_ =	shalt  }
0x49: {  	_ =	shalt  }
0x4a: {  	_ =	shalt  }
0x4b: {  	_ =	shalt  }
0x4c: {  	_ =	shalt  }
0x4d: {  	_ =	shalt  }
0x4e: {  	_ =	shalt  }
0x4f: {  	_ =	shalt  }
0x50: {  	_ =	shalt  }
0x51: {  	_ =	shalt  }
0x52: {  	_ =	shalt  }
0x53: {  	_ =	shalt  }
0x54: {  	_ =	shalt  }
0x55: {  	_ =	shalt  }
0x56: {  	_ =	shalt  }
0x57: {  	_ =	shalt  }
0x58: {  	_ =	shalt  }
0x59: {  	_ =	shalt  }
0x5a: {  	_ =	shalt  }
0x5b: {  	_ =	shalt  }
0x5c: {  	_ =	shalt  }
0x5d: {  	_ =	shalt  }
0x5e: {  	_ =	shalt  }
0x5f: {  	_ =	shalt  }
0x60: {  	_ =	shalt  }
0x61: {  	_ =	shalt  }
0x62: {  	_ =	shalt  }
0x63: {  	_ =	shalt  }
0x64: {  	_ =	shalt  }
0x65: {  	_ =	shalt  }
0x66: {  	_ =	shalt  }
0x67: {  	_ =	shalt  }
0x68: {  	_ =	shalt  }
0x69: {  	_ =	shalt  }
0x6a: {  	_ =	shalt  }
0x6b: {  	_ =	shalt  }
0x6c: {  	_ =	shalt  }
0x6d: {  	_ =	shalt  }
0x6e: {  	_ =	shalt  }
0x6f: {  	_ =	shalt  }
0x70: {  	_ =	shalt  }
0x71: {  	_ =	shalt  }
0x72: {  	_ =	shalt  }
0x73: {  	_ =	shalt  }
0x74: {  	_ =	shalt  }
0x75: {  	_ =	shalt  }
0x76: {  	_ =	shalt  }
0x77: {  	_ =	shalt  }
0x78: {  	_ =	shalt  }
0x79: {  	_ =	shalt  }
0x7a: {  	_ =	shalt  }
0x7b: {  	_ =	shalt  }
0x7c: {  	_ =	shalt  }
0x7d: {  	_ =	shalt  }
0x7e: {  	_ =	shalt  }
0x7f: {  	_ =	shalt  }
0x80: {  	_ =	shalt  }
0x81: {  	_ =	shalt  }
0x82: {  	_ =	shalt  }
0x83: {  	_ =	shalt  }
0x84: {  	_ =	shalt  }
0x85: {  	_ =	shalt  }
0x86: {  	_ =	shalt  }
0x87: {  	_ =	shalt  }
.Lfunc_end0:
.L_simem_size_0:
called_computation_lowered:
.L_overlay_start_0:
0x88: {  	s2 =	sld [smem:$0x3FD9]  }
0x89: {  	s3 =	sld [smem:$0x3FFE];
	_ =	sdelay $0x1  }
0x8a: {  	s1 =	srdreg.scid  }
0x8b: {  	s0 =	sand.u32 $0x1, s1  }
0x8c: {  	s14 =	sshll.u32 s0, $0xA;
	s2 =	sadd.s32 s3, s2  }
0x8d: {  	s2 =	sadd.s32 s2, s14  }
0x8e: {  	[smem:$0x3FC6] =	sst s2  }
0x8f: {  	_ = 	snop  }
0x90: {  	s2 =	sld [smem:$0x3FD0];
	_ =	sdelay $0x2  }
0x91: {  	s15 =	simm.s32 $0xA;
	s4 =	simm.s32 $0x10  }
0x92: {  	[smem:s4], [sflag:s15] =	dma.local [hbm:s2], $0x1  }
0x93: {  	_ =	swait.eq [sflag:s15], $0x1  }
0x94: {  	[sflag:s15] =	ssyncset.done $0x0  }
0x95: {  	[sflag:s15] =	ssyncadd.s32 $0xFFFFFFFF  }
0x96: {  	s16 =	sld [smem:$0x10];
	(tm) =	ssettm $0x1  }
0x97: {  	s17 =	sld [smem:$0x3FFB];
	_ =	sdelay $0x3  }
0x98: {  	_ =	strace s17  }
0x99: {  	s3 =	sld [smem:$0x3FFC];
	_ =	sdelay $0x3  }
0x9a: {  	_ =	strace s3  }
0x9b: {  	s3 =	sld [smem:$0x3FFD];
	_ =	sdelay $0x3  }
0x9c: {  	_ =	strace s3  }
0x9d: {  	_ =	strace $0x8FFFFFFF  }
0x9e: {  	s18 =	sld [smem:$0x3FDB];
	_ =	sdelay $0x1  }
0x9f: {  	s19 =	simm.s32 $_scs_section_size  }
0xa0: {  	s5 =	simm.s32 $_size__tile_overlayer_lowered;
	s6 =	simm.s32 $_tile_overlayer_lowered  }
0xa1: {  	s22 =	simm.s32 $0x1BFF;
	s21 =	sshll.u32 s6, $0x1;
	s3 =	sadd.s32 s19, s18  }
0xa2: {  	s7 =	simm.s32 $0x0;
	s20 =	sshll.u32 s5, $0x1;
	s5 =	sadd.s32 s21, s3  }
0xa3: {  	[timem:s7], [sflag:s22] =	dma.local [hbm:s5], s20  }
0xa4: {  	_ =	swait.ge [sflag:s22], s20  }
0xa5: {  	s4 =	ssub.s32 $0x0, s20;
	[sflag:s22] =	ssyncset.done $0x0  }
0xa6: {  	[sflag:s22] =	ssyncadd.s32 s4;
	_ =	sdelay $0x1  }
0xa7: {  	s23 =	simm.s32 $0x1B8B  }
0xa8: {  	_ =	swait.ge [sflag:s23], $0x1  }
0xa9: {  	[sflag:s23] =	ssyncset.done $0x0  }
0xaa: {  	s25 =	simm.s32 $0x1B8E;
	s24 =	sld [smem:$0x3FFE];
	[sflag:s23] =	ssyncadd.s32 $0xFFFFFFFF  }
0xab: {  	s26 =	simm.s32 $execute0_lowered;
	[smem:$0x3FD2] =	sst s25  }
0xac: {  	s5 =	sshll.u32 s26, $0x1;
	_ =	strace $0x80000046;
	[dreg:$0x1] =	wrdreg $0xFFFFFFFF  }
0xad: {  	s28 =	simm.s32 $_size_execute0_lowered;
	s3 =	sadd.s32 s3, s5;
	[dreg:$0x0] =	wrdreg $0x0  }
0xae: {  	s5 =	sshll.u32 s28, $0x1;
	[dreg:$0x2] =	wrdreg s3  }
0xaf: {  	[dreg:$0x3] =	wrdreg s5  }
0xb0: {  	[dreg:$0x4] =	wrdreg $0xC0  }
0xb1: {  	_ =	task [dreg:s7], $0x5FFFF  }
0xb2: {  	[dreg:$0x1] =	wrdreg $0xFFFFFFFF  }
0xb3: {  	[dreg:$0x0] =	wrdreg $0x60  }
0xb4: {  	[dreg:$0x2] =	wrdreg s24  }
0xb5: {  	[dreg:$0x3] =	wrdreg s16  }
0xb6: {  	[dreg:$0x4] =	wrdreg $0x9  }
0xb7: {  	_ =	task.clear_ibuf [dreg:s7], $0x5FFFF;
	_ =	strace $0x90000046  }
0xb8: {  	s29 =	simm.s32 $0x9;
	_ =	strace $0x80000048  }
0xb9: {  	_ =	swait.ge [sflag:s29], $0x1  }
0xba: {  	[sflag:s29] =	ssyncadd.s32 $0xFFFFFFFF  }
0xbb: {  	_ =	strace $0x90000048  }
0xbc: {  	_ =	sfence  }
0xbd: {  	s30 =	sld [smem:$0x0];
	_ =	sdelay $0x2  }
0xbe: {  	s31 =	sshll.u32 s1, $0xD;
	s1 =	sshrl.u32 s1, $0x2  }
0xbf: {  	s3 =	sand.u32 $0x4000, s31;
	s1 =	sadd.s32 s1, s30  }
0xc0: {  	s0 =	sor.u32 s3, s0;
	s1 =	sshll.u32 s1, $0x11  }
0xc1: {  	s0 =	sor.u32 s1, s0  }
0xc2: {  	s0 =	sadd.s32 $0x8F2B, s0  }
0xc3: {  	[sflag:s0] =	ssyncadd.remote.s32 $0x1  }
0xc4: {  	_ =	sfence.sel $0xFFFF  }
0xc5: {  	[dreg:$0x0] =	wrdreg $0xFFFFFFFF;
	(pc) =	sbr.abs _section_cstart, $3  }
0xc6: {  	[dreg:$0x1] =	wrdreg $0xFFFFFFFF  }
0xc7: {  	_ =	task.clear_ibuf [dreg:s7], $0x2FFFF;
	_ =	strace $0x9FFFFFFF  }
0xc8: {  	(tm) =	ssettm $0x7FFFFFFF  }
0xc9: {  	_ =	shalt  }
tec
execute0_lowered:
.L_overlay_start_1:
0x0: {  	(tag) =	ssettag $0x1  }
0x1: {  	s1 =	srdreg.scid;
	s0 =	stileid.u32  }
0x2: {  	s5 =	rddreg [dreg:$0x0];
	s20 =	sand.u32 $0x1, s1;
	s30 =	sshll.u32 s0, $0x1  }
0x3: {  	s22 =	rddreg [dreg:$0x1];
	s23 =	sor.u32 s20, s30  }
0x4: {  	s2 =	simm.s32 $0x0;
	s1 =	rddreg [dreg:$0x2];
	s3 =	sshll.u32 s23, $0x7  }
0x5: {  	[smem:$0x7FF] =	sst s2;
	s3 =	sadd.s32 s3, s5  }
0x6: {  	_ =	strace $0x80000047;
	s4 =	sadd.s32 $0x8400, s3;
	s3 =	simm.s32 $0x2  }
0x7: {  	[tilespmem:s2], [sflag:$0x2] =	stream.linear.gather [hbm4b:s4+s2], $0x400, $0x38;
	[tilespmem:$0x8400] =	vst v63  }
0x8: {  	_ =	swait.ge [sflag:s3], $0x400  }
0x9: {  	s6 =	simm.s32 $0x80;
	s7 =	simm.s32 $0x400;
	[sflag:s3] =	ssyncset.done $0x0  }
0xa: {  	s8 =	simm.s32 $0x1;
	s5 =	sadd.s32 $0x400, s5;
	[sflag:s3] =	ssyncadd.s32 $0xFFFFFC00  }
0xb: {  	[tilespmem:s7], [sflag:$0x1] =	stream.indirect.gather [hbm4b:s5+s6], $0x20, s2, s6, $0xb8;
	[tilespmem:$0x8400] =	vst v63  }
0xc: {  	_ =	swait.ge [sflag:s8], $0x1000  }
0xd: {  	[sflag:s8] =	ssyncset.done $0x0  }
0xe: {  	s9 =	simm.s32 $0x1400;
	[sflag:s8] =	ssyncadd.s32 $0xFFFFF000  }
0xf: {  	[tilespmem:s9], [sflag:$0x1] =	stream.indirect.gather [hbm4b:s5+s6], $0x20, s6, s6, $0xb8;
	[tilespmem:$0x8400] =	vst v63  }
0x10: {  	_ =	swait.ge [sflag:s8], $0x1000  }
0x11: {  	[sflag:s8] =	ssyncset.done $0x0  }
0x12: {  	s10 =	simm.s32 $0x100;
	s11 =	simm.s32 $0x2400;
	[sflag:s8] =	ssyncadd.s32 $0xFFFFF000  }
0x13: {  	[tilespmem:s11], [sflag:$0x1] =	stream.indirect.gather [hbm4b:s5+s6], $0x20, s10, s6, $0xb8;
	[tilespmem:$0x8400] =	vst v63  }
0x14: {  	_ =	swait.ge [sflag:s8], $0x1000  }
0x15: {  	[sflag:s8] =	ssyncset.done $0x0  }
0x16: {  	s12 =	simm.s32 $0x180;
	s13 =	simm.s32 $0x3400;
	[sflag:s8] =	ssyncadd.s32 $0xFFFFF000  }
0x17: {  	[tilespmem:s13], [sflag:$0x1] =	stream.indirect.gather [hbm4b:s5+s6], $0x20, s12, s6, $0xb8;
	[tilespmem:$0x8400] =	vst v63  }
0x18: {  	_ =	swait.ge [sflag:s8], $0x1000  }
0x19: {  	[sflag:s8] =	ssyncset.done $0x0  }
0x1a: {  	s14 =	simm.s32 $0x200;
	s15 =	simm.s32 $0x4400;
	[sflag:s8] =	ssyncadd.s32 $0xFFFFF000  }
0x1b: {  	[tilespmem:s15], [sflag:$0x1] =	stream.indirect.gather [hbm4b:s5+s6], $0x20, s14, s6, $0xb8;
	[tilespmem:$0x8400] =	vst v63  }
0x1c: {  	_ =	swait.ge [sflag:s8], $0x1000  }
0x1d: {  	[sflag:s8] =	ssyncset.done $0x0  }
0x1e: {  	s16 =	simm.s32 $0x280;
	s17 =	simm.s32 $0x5400;
	[sflag:s8] =	ssyncadd.s32 $0xFFFFF000  }
0x1f: {  	[tilespmem:s17], [sflag:$0x1] =	stream.indirect.gather [hbm4b:s5+s6], $0x20, s16, s6, $0xb8;
	[tilespmem:$0x8400] =	vst v63  }
0x20: {  	_ =	swait.ge [sflag:s8], $0x1000  }
0x21: {  	s18 =	simm.s32 $0x300;
	[sflag:s8] =	ssyncset.done $0x0  }
0x22: {  	s19 =	simm.s32 $0x6400;
	s24 =	ssub.s32 $0x2, s20;
	[sflag:s8] =	ssyncadd.s32 $0xFFFFF000  }
0x23: {  	[tilespmem:s19], [sflag:$0x1] =	stream.indirect.gather [hbm4b:s5+s6], $0x20, s18, s6, $0xb8;
	[tilespmem:$0x8400] =	vst v63  }
0x24: {  	s25 =	sshrl.u32 s24, $0x1;
	_ =	swait.ge [sflag:s8], $0x1000  }
0x25: {  	s21 =	simm.s32 $0x7400;
	s24 =	ssub.s32 s24, s25;
	[sflag:s8] =	ssyncset.done $0x0  }
0x26: {  	s20 =	simm.s32 $0x380;
	s31 =	smax.u32 s24, $0x1;
	[sflag:s8] =	ssyncadd.s32 $0xFFFFF000  }
0x27: {  	[tilespmem:s21], [sflag:$0x1] =	stream.indirect.gather [hbm4b:s5+s6], $0x20, s20, s6, $0xb8;
	[tilespmem:$0x8400] =	vst v63  }
0x28: {  	p0 =	sne.s32 s31, $0x1;
	_ =	swait.ge [sflag:s8], $0x1000  }
.Ltmp0:
0x29: {  	s23 =	sshll.u32 s23, $0xC;
	[sflag:s8] =	ssyncset.done $0x0;
	(pc) =	sbr.rel @!p0 .LBB2_2-.Ltmp0, $4  }
0x2a: {  	s22 =	sadd.s32 s22, s23;
	[sflag:s8] =	ssyncadd.s32 $0xFFFFF000  }
0x2b: {  	[hbm4b:s22+s2] =	stream.linear.scatter [tilespmem:s7], [sflag:$0x2], $0x8000, $0x38;
	[tilespmem:$0x8400] =	vst v63  }
0x2c: {  	_ =	swait.ge [sflag:s3], $0x8000  }
0x2d: {  	s23 =	sadd.s32 $0xFFFFFFFF, s31;
	[sflag:s3] =	ssyncset.done $0x0  }
.LBB2_1:
0x2e: {  	p0 =	sne.s32 s23, $0x1;
	s23 =	sadd.s32 $0xFFFFFFFF, s23;
	[sflag:s3] =	ssyncadd.s32 $0xFFFF8000  }
0x2f: {  	[tilespmem:s2], [sflag:$0x2] =	stream.linear.gather [hbm4b:s4+s2], $0x400, $0x38;
	[tilespmem:$0x8400] =	vst v63  }
0x30: {  	_ =	swait.ge [sflag:s3], $0x400  }
0x31: {  	[sflag:s3] =	ssyncset.done $0x0  }
0x32: {  	[sflag:s3] =	ssyncadd.s32 $0xFFFFFC00  }
0x33: {  	[tilespmem:s7], [sflag:$0x1] =	stream.indirect.gather [hbm4b:s5+s6], $0x20, s2, s6, $0xb8;
	[tilespmem:$0x8400] =	vst v63  }
0x34: {  	_ =	swait.ge [sflag:s8], $0x1000  }
0x35: {  	[sflag:s8] =	ssyncset.done $0x0  }
0x36: {  	[sflag:s8] =	ssyncadd.s32 $0xFFFFF000  }
0x37: {  	[tilespmem:s9], [sflag:$0x1] =	stream.indirect.gather [hbm4b:s5+s6], $0x20, s6, s6, $0xb8;
	[tilespmem:$0x8400] =	vst v63  }
0x38: {  	_ =	swait.ge [sflag:s8], $0x1000  }
0x39: {  	[sflag:s8] =	ssyncset.done $0x0  }
0x3a: {  	[sflag:s8] =	ssyncadd.s32 $0xFFFFF000  }
0x3b: {  	[tilespmem:s11], [sflag:$0x1] =	stream.indirect.gather [hbm4b:s5+s6], $0x20, s10, s6, $0xb8;
	[tilespmem:$0x8400] =	vst v63  }
0x3c: {  	_ =	swait.ge [sflag:s8], $0x1000  }
0x3d: {  	[sflag:s8] =	ssyncset.done $0x0  }
0x3e: {  	[sflag:s8] =	ssyncadd.s32 $0xFFFFF000  }
0x3f: {  	[tilespmem:s13], [sflag:$0x1] =	stream.indirect.gather [hbm4b:s5+s6], $0x20, s12, s6, $0xb8;
	[tilespmem:$0x8400] =	vst v63  }
0x40: {  	_ =	swait.ge [sflag:s8], $0x1000  }
0x41: {  	[sflag:s8] =	ssyncset.done $0x0  }
0x42: {  	[sflag:s8] =	ssyncadd.s32 $0xFFFFF000  }
0x43: {  	[tilespmem:s15], [sflag:$0x1] =	stream.indirect.gather [hbm4b:s5+s6], $0x20, s14, s6, $0xb8;
	[tilespmem:$0x8400] =	vst v63  }
0x44: {  	_ =	swait.ge [sflag:s8], $0x1000  }
0x45: {  	[sflag:s8] =	ssyncset.done $0x0  }
0x46: {  	[sflag:s8] =	ssyncadd.s32 $0xFFFFF000  }
0x47: {  	[tilespmem:s17], [sflag:$0x1] =	stream.indirect.gather [hbm4b:s5+s6], $0x20, s16, s6, $0xb8;
	[tilespmem:$0x8400] =	vst v63  }
0x48: {  	_ =	swait.ge [sflag:s8], $0x1000  }
0x49: {  	[sflag:s8] =	ssyncset.done $0x0  }
0x4a: {  	[sflag:s8] =	ssyncadd.s32 $0xFFFFF000  }
0x4b: {  	[tilespmem:s19], [sflag:$0x1] =	stream.indirect.gather [hbm4b:s5+s6], $0x20, s18, s6, $0xb8;
	[tilespmem:$0x8400] =	vst v63  }
0x4c: {  	_ =	swait.ge [sflag:s8], $0x1000  }
0x4d: {  	[sflag:s8] =	ssyncset.done $0x0  }
0x4e: {  	[sflag:s8] =	ssyncadd.s32 $0xFFFFF000  }
0x4f: {  	[tilespmem:s21], [sflag:$0x1] =	stream.indirect.gather [hbm4b:s5+s6], $0x20, s20, s6, $0xb8;
	[tilespmem:$0x8400] =	vst v63  }
0x50: {  	_ =	swait.ge [sflag:s8], $0x1000  }
.Ltmp1:
0x51: {  	[sflag:s8] =	ssyncset.done $0x0;
	(pc) =	sbr.rel @p0 .LBB2_1-.Ltmp1, $4  }
0x52: {  	[sflag:s8] =	ssyncadd.s32 $0xFFFFF000  }
0x53: {  	[hbm4b:s22+s2] =	stream.linear.scatter [tilespmem:s7], [sflag:$0x2], $0x8000, $0x38;
	[tilespmem:$0x8400] =	vst v63  }
0x54: {  	_ =	swait.ge [sflag:s3], $0x8000  }
0x55: {  	[sflag:s3] =	ssyncset.done $0x0  }
.LBB2_2:
0x56: {  	[sflag:s3] =	ssyncadd.s32 $0xFFFF8000  }
0x57: {  	_ =	sfence.sel $0x180000  }
0x58: {  	[bflag:$0x0] =	sbarrier.arrive $0xFFFF  }
0x59: {  	p0 =	sne.s32 s0, $0x0;
	_ =	strace $0x90000047  }
0x5a: {  	s0 =	sadd.s32 @!p0 $0x100000, s1;
	[bflag:$0x2] =	sbarrier.arrive $0xFFFF  }
0x5b: {  	[sflag:s0] =	ssyncadd.tile.s32 @!p0 $0x1;
	_ =	shalt  }
.Lfunc_end2:
_tile_overlayer_lowered:
.L_overlay_start_2:
0x5c: {  	(tag) =	ssettag $0x2  }
0x5d: {  	s0 =	rddreg [dreg:$0x0];
	s2 =	stileid.u32  }
0x5e: {  	s1 =	rddreg [dreg:$0x1];
	p0 =	sne.s32 s2, $0x0  }
0x5f: {  	s3 =	rddreg [dreg:$0x2];
	[bflag:$0x3] =	sbarrier.arrive $0xFFFF;
	s2 =	simm.s32 @!p0 $0x1C02  }
0x60: {  	[timem:s3], [sflag:s2] =	dma.local @!p0 [hbm:s0], s1  }
0x61: {  	s0 =	simm.s32 @!p0 $0x2  }
0x62: {  	_ =	swait.ge @!p0 [sflag:s0], s1  }
0x63: {  	s1 =	ssub.s32 @!p0 $0x0, s1;
	[sflag:s0] =	ssyncset.done @!p0 $0x0  }
0x64: {  	[sflag:s0] =	ssyncadd.s32 @!p0 s1  }
0x65: {  	[bflag:$0x3] =	sbarrier.arrive $0xFFFF  }
0x66: {  	_ =	shalt  }

</sc_bundles>
